<compile_context>
chip_gen: v7x
topology: tpu7x:2x2x1
jax: 0.10.2.dev20260603
libtpu: 0.0.44.dev20260713+nightly
codegen_flags: <defaults>
</compile_context>

<pallas_src>
import functools

import jax
import jax.numpy as jnp
from jax import lax
from jax.experimental import pallas as pl
from jax.experimental.pallas import tpu as pltpu
from jax.experimental.pallas import tpu_sc as plsc

D = 1024
NC = 2
NS = 16
NW = NC * NS
K = 8
LANES = 16
NB = 4


@functools.lru_cache(maxsize=None)
def _emb_call(n_rows, seq_len, n_chunks):
    mesh = plsc.VectorSubcoreMesh(core_axis_name="c", subcore_axis_name="s")
    spw = seq_len // NW

    @functools.partial(
        pl.kernel,
        out_type=jax.ShapeDtypeStruct((n_rows, D), jnp.float32),
        mesh=mesh,
        scratch_types=[
            pltpu.VMEM((NB, spw), jnp.int32),
            pltpu.VMEM((3, NB, K, D), jnp.float32),
            pltpu.VMEM((2, K, D), jnp.float32),
            pltpu.SemaphoreType.DMA,
            pltpu.SemaphoreType.DMA,
            pltpu.SemaphoreType.DMA,
            pltpu.SemaphoreType.DMA,
            pltpu.SemaphoreType.DMA,
            pltpu.SemaphoreType.DMA,
            pltpu.SemaphoreType.DMA,
            pltpu.SemaphoreType.DMA,
            pltpu.SemaphoreType.DMA,
        ],
    )
    def k(ids_hbm, table_hbm, pe_hbm, out_hbm, idx_v, rows_v, pe_v,
          sem_pe, sg0, sg1, sg2, sg3, ss0, ss1, ss2, ss3):
        wid = lax.axis_index("s") * NC + lax.axis_index("c")
        s0 = wid * spw
        sem_g = [sg0, sg1, sg2, sg3]
        sem_s = [ss0, ss1, ss2, ss3]

        for b in range(NB):
            pltpu.sync_copy(ids_hbm.at[b, pl.ds(s0, spw)], idx_v.at[b])

        def pe_copy(c, slot):
            return pltpu.make_async_copy(
                pe_hbm.at[pl.ds(s0 + c * K, K)], pe_v.at[slot], sem_pe)

        def gather(c, slot, b):
            return pltpu.make_async_copy(
                table_hbm.at[idx_v.at[b, pl.ds(c * K, K)]],
                rows_v.at[slot, b], sem_g[b])

        def store(c, slot, b):
            return pltpu.make_async_copy(
                rows_v.at[slot, b],
                out_hbm.at[pl.ds(b * seq_len + s0 + c * K, K)], sem_s[b])

        pe_copy(0, 0).start()
        for b in range(NB):
            gather(0, 0, b).start()

        def chunk_body(c, carry):
            qp = lax.rem(c, 2)
            q = lax.rem(c, 3)
            qn = lax.rem(c + 1, 3)
            pe_copy(c, qp).wait()

            @pl.when(c + 1 < n_chunks)
            def _():
                pe_copy(c + 1, lax.rem(c + 1, 2)).start()

            for b in range(NB):
                @pl.when(c >= 2)
                def _():
                    store(c - 2, qn, b).wait()
                gather(c, q, b).wait()

                @pl.when(c + 1 < n_chunks)
                def _():
                    gather(c + 1, qn, b).start()

            jper = D // LANES

            @plsc.parallel_loop(0, K * jper, unroll=8)
            def _(i):
                r = lax.shift_right_logical(i, 6)
                j = lax.bitwise_and(i, jper - 1)
                sl = pl.ds(j * LANES, LANES)
                v = pe_v[qp, r, sl]
                for b in range(NB):
                    plsc.addupdate(rows_v.at[q, b, r, sl], v)

            for b in range(NB):
                store(c, q, b).start()
            return carry

        lax.fori_loop(0, n_chunks, chunk_body, 0)
        for b in range(NB):
            store(n_chunks - 2, lax.rem(n_chunks - 2, 3), b).wait()
            store(n_chunks - 1, lax.rem(n_chunks - 1, 3), b).wait()

    return k


def kernel(token_ids, table, pe):
    b, s = token_ids.shape
    n_rows = b * s
    spw = s // NW
    n_chunks = spw // K
    ids = token_ids.astype(jnp.int32)
    out = _emb_call(n_rows, s, n_chunks)(ids, table, pe[:s].astype(jnp.float32))
    return out.reshape(b, s, D)

# --- scband reference (transcript-rebuilt; emitter-appended) ---
"""Pipeline reference for scband-embedding-layer-62062277427294 (READ-ONLY COPY).

The authoritative reference and input builder live on the scoring server;
editing this copy changes nothing except your own understanding.
"""

import jax, jax.numpy as jnp
import numpy as np
import math

VOCAB = 100000
D_MODEL = 1024
CONTEXT = 8192
B = 4
S = 8192


def _make_pe(context, d_model):
    pos = np.arange(0, context)[:, None].astype(np.float32)
    div_term = np.exp(np.arange(0, d_model, 2).astype(np.float32) * -(math.log(10000.0) / d_model))
    pe = np.zeros((context, d_model), dtype=np.float32)
    pe[:, 0::2] = np.sin(pos * div_term)
    pe[:, 1::2] = np.cos(pos * div_term)
    return jnp.asarray(pe)


def setup_inputs(seed: int = 0) -> dict:
    key = jax.random.key(seed)
    k1, k2 = jax.random.split(key)
    token_ids = jax.random.randint(k1, (B, S), 0, VOCAB)
    # learned embedding table (nn.Embedding default init ~ N(0,1))
    table = jax.random.normal(k2, (VOCAB, D_MODEL), dtype=jnp.float32)
    # fixed sinusoidal positional encoding buffer
    pe = _make_pe(CONTEXT, D_MODEL)
    return {"token_ids": token_ids, "table": table, "pe": pe}


def reference(token_ids, table, pe):
    # tok_embeddings = Embedding(token_ids)
    seq_length = token_ids.shape[1]
    tok_embeddings = jnp.take(table, token_ids, axis=0)  # [B, S, D]
    pos_encoding = pe[:seq_length, :][None, :, :]        # [1, S, D]
    # dropout is identity in eval mode (deterministic reference)
    return tok_embeddings + pos_encoding

if __name__ == "__main__":
    import jax
    _d = setup_inputs()
    print(jax.jit(kernel)(*tuple(_d.values())))

</pallas_src>

<mosaic_0001>
#map = affine_map<(d0, d1) -> (0, 0)>
module attributes {stable_mosaic.version = 14 : i64} {
  func.func @k(%arg0: i32, %arg1: i32, %arg2: memref<4x8192xi32, #tpu.memory_space<hbm>>, %arg3: memref<100000x1024xf32, #tpu.memory_space<hbm>>, %arg4: memref<8192x1024xf32, #tpu.memory_space<hbm>>, %arg5: memref<32768x1024xf32, #tpu.memory_space<hbm>>, %arg6: memref<4x256xi32, #tpu.memory_space<vmem>>, %arg7: memref<3x4x8x1024xf32, #tpu.memory_space<vmem>>, %arg8: memref<2x8x1024xf32, #tpu.memory_space<vmem>>, %arg9: memref<!tpu.dma_semaphore, #tpu.memory_space<semaphore_mem>>, %arg10: memref<!tpu.dma_semaphore, #tpu.memory_space<semaphore_mem>>, %arg11: memref<!tpu.dma_semaphore, #tpu.memory_space<semaphore_mem>>, %arg12: memref<!tpu.dma_semaphore, #tpu.memory_space<semaphore_mem>>, %arg13: memref<!tpu.dma_semaphore, #tpu.memory_space<semaphore_mem>>, %arg14: memref<!tpu.dma_semaphore, #tpu.memory_space<semaphore_mem>>, %arg15: memref<!tpu.dma_semaphore, #tpu.memory_space<semaphore_mem>>, %arg16: memref<!tpu.dma_semaphore, #tpu.memory_space<semaphore_mem>>, %arg17: memref<!tpu.dma_semaphore, #tpu.memory_space<semaphore_mem>>) attributes {dimension_semantics = [#tpu.dimension_semantics<core_parallel>, #tpu.dimension_semantics<subcore_parallel>], iteration_bounds = array<i64: 2, 16>, scalar_prefetch = 0 : i64, scratch_operands = 12 : i64, tpu.core_type = #tpu.core_type<sc_vector_subcore>, window_params = [{transform_indices = #map}, {transform_indices = #map}, {transform_indices = #map}, {transform_indices = #map}]} {
    %mul3A = arith.constant 2 : i32
    %mul3A_0 = arith.muli %arg1, %mul3A : i32
    %add3A = arith.addi %mul3A_0, %arg0 : i32
    %mul3A_1 = arith.constant 256 : i32
    %mul3A_2 = arith.muli %add3A, %mul3A_1 : i32
    %run_scoped3A = arith.constant 0 : i32
    %run_scoped3A_3 = arith.constant 0 : i32
    "tpu.region"() ({
      %run_scoped3A_239 = tpu.sem_alloc : memref<!tpu.dma_semaphore, #tpu.memory_space<semaphore_mem>>
      %dma_start3A_240 = arith.constant 0 : i32
      %dma_start3A_241 = tpu.memref_slice %arg6[%run_scoped3A_3, %dma_start3A_240] : memref<4x256xi32, #tpu.memory_space<vmem>> -> memref<1x256xi32, #tpu.memory_space<vmem>>
      %dma_start3A_242 = tpu.memref_squeeze %dma_start3A_241 : memref<1x256xi32, #tpu.memory_space<vmem>> -> memref<256xi32, #tpu.memory_space<vmem>>
      %dma_start3A_243 = tpu.memref_slice %arg2[%run_scoped3A, %mul3A_2] : memref<4x8192xi32, #tpu.memory_space<hbm>> -> memref<1x256xi32, #tpu.memory_space<hbm>>
      %dma_start3A_244 = tpu.memref_squeeze %dma_start3A_243 : memref<1x256xi32, #tpu.memory_space<hbm>> -> memref<256xi32, #tpu.memory_space<hbm>>
      %dma_start3A_245 = arith.constant 0 : i32
      %dma_start3A_246 = tpu.memref_slice %arg6[%run_scoped3A_3, %dma_start3A_245] : memref<4x256xi32, #tpu.memory_space<vmem>> -> memref<1x256xi32, #tpu.memory_space<vmem>>
      %dma_start3A_247 = tpu.memref_squeeze %dma_start3A_246 : memref<1x256xi32, #tpu.memory_space<vmem>> -> memref<256xi32, #tpu.memory_space<vmem>>
      %dma_start3A_248 = tpu.memref_slice %arg2[%run_scoped3A, %mul3A_2] : memref<4x8192xi32, #tpu.memory_space<hbm>> -> memref<1x256xi32, #tpu.memory_space<hbm>>
      %dma_start3A_249 = tpu.memref_squeeze %dma_start3A_248 : memref<1x256xi32, #tpu.memory_space<hbm>> -> memref<256xi32, #tpu.memory_space<hbm>>
      tpu.enqueue_dma source(%dma_start3A_249 : memref<256xi32, #tpu.memory_space<hbm>>) target(%dma_start3A_247 : memref<256xi32, #tpu.memory_space<vmem>>) target_semaphore(%run_scoped3A_239 : memref<!tpu.dma_semaphore, #tpu.memory_space<semaphore_mem>>)
      %dma_wait3A_250 = arith.constant 0 : i32
      %dma_wait3A_251 = tpu.memref_slice %arg6[%run_scoped3A_3, %dma_wait3A_250] : memref<4x256xi32, #tpu.memory_space<vmem>> -> memref<1x256xi32, #tpu.memory_space<vmem>>
      %dma_wait3A_252 = tpu.memref_squeeze %dma_wait3A_251 : memref<1x256xi32, #tpu.memory_space<vmem>> -> memref<256xi32, #tpu.memory_space<vmem>>
      %dma_wait3A_253 = tpu.memref_slice %arg2[%run_scoped3A, %mul3A_2] : memref<4x8192xi32, #tpu.memory_space<hbm>> -> memref<1x256xi32, #tpu.memory_space<hbm>>
      %dma_wait3A_254 = tpu.memref_squeeze %dma_wait3A_253 : memref<1x256xi32, #tpu.memory_space<hbm>> -> memref<256xi32, #tpu.memory_space<hbm>>
      %dma_wait3A_255 = arith.constant 0 : i32
      %dma_wait3A_256 = tpu.memref_slice %arg6[%run_scoped3A_3, %dma_wait3A_255] : memref<4x256xi32, #tpu.memory_space<vmem>> -> memref<1x256xi32, #tpu.memory_space<vmem>>
      %dma_wait3A_257 = tpu.memref_squeeze %dma_wait3A_256 : memref<1x256xi32, #tpu.memory_space<vmem>> -> memref<256xi32, #tpu.memory_space<vmem>>
      %dma_wait3A_258 = tpu.memref_slice %arg2[%run_scoped3A, %mul3A_2] : memref<4x8192xi32, #tpu.memory_space<hbm>> -> memref<1x256xi32, #tpu.memory_space<hbm>>
      %dma_wait3A_259 = tpu.memref_squeeze %dma_wait3A_258 : memref<1x256xi32, #tpu.memory_space<hbm>> -> memref<256xi32, #tpu.memory_space<hbm>>
      tpu.wait_dma2 semaphore(%run_scoped3A_239 : memref<!tpu.dma_semaphore, #tpu.memory_space<semaphore_mem>>) src(%dma_wait3A_259 : memref<256xi32, #tpu.memory_space<hbm>>) dst(%dma_wait3A_257 : memref<256xi32, #tpu.memory_space<vmem>>)
      tpu.yield
    }) : () -> ()
    %run_scoped3A_4 = arith.constant 1 : i32
    %run_scoped3A_5 = arith.constant 1 : i32
    "tpu.region"() ({
      %run_scoped3A_239 = tpu.sem_alloc : memref<!tpu.dma_semaphore, #tpu.memory_space<semaphore_mem>>
      %dma_start3A_240 = arith.constant 0 : i32
      %dma_start3A_241 = tpu.memref_slice %arg6[%run_scoped3A_5, %dma_start3A_240] : memref<4x256xi32, #tpu.memory_space<vmem>> -> memref<1x256xi32, #tpu.memory_space<vmem>>
      %dma_start3A_242 = tpu.memref_squeeze %dma_start3A_241 : memref<1x256xi32, #tpu.memory_space<vmem>> -> memref<256xi32, #tpu.memory_space<vmem>>
      %dma_start3A_243 = tpu.memref_slice %arg2[%run_scoped3A_4, %mul3A_2] : memref<4x8192xi32, #tpu.memory_space<hbm>> -> memref<1x256xi32, #tpu.memory_space<hbm>>
      %dma_start3A_244 = tpu.memref_squeeze %dma_start3A_243 : memref<1x256xi32, #tpu.memory_space<hbm>> -> memref<256xi32, #tpu.memory_space<hbm>>
      %dma_start3A_245 = arith.constant 0 : i32
      %dma_start3A_246 = tpu.memref_slice %arg6[%run_scoped3A_5, %dma_start3A_245] : memref<4x256xi32, #tpu.memory_space<vmem>> -> memref<1x256xi32, #tpu.memory_space<vmem>>
      %dma_start3A_247 = tpu.memref_squeeze %dma_start3A_246 : memref<1x256xi32, #tpu.memory_space<vmem>> -> memref<256xi32, #tpu.memory_space<vmem>>
      %dma_start3A_248 = tpu.memref_slice %arg2[%run_scoped3A_4, %mul3A_2] : memref<4x8192xi32, #tpu.memory_space<hbm>> -> memref<1x256xi32, #tpu.memory_space<hbm>>
      %dma_start3A_249 = tpu.memref_squeeze %dma_start3A_248 : memref<1x256xi32, #tpu.memory_space<hbm>> -> memref<256xi32, #tpu.memory_space<hbm>>
      tpu.enqueue_dma source(%dma_start3A_249 : memref<256xi32, #tpu.memory_space<hbm>>) target(%dma_start3A_247 : memref<256xi32, #tpu.memory_space<vmem>>) target_semaphore(%run_scoped3A_239 : memref<!tpu.dma_semaphore, #tpu.memory_space<semaphore_mem>>)
      %dma_wait3A_250 = arith.constant 0 : i32
      %dma_wait3A_251 = tpu.memref_slice %arg6[%run_scoped3A_5, %dma_wait3A_250] : memref<4x256xi32, #tpu.memory_space<vmem>> -> memref<1x256xi32, #tpu.memory_space<vmem>>
      %dma_wait3A_252 = tpu.memref_squeeze %dma_wait3A_251 : memref<1x256xi32, #tpu.memory_space<vmem>> -> memref<256xi32, #tpu.memory_space<vmem>>
      %dma_wait3A_253 = tpu.memref_slice %arg2[%run_scoped3A_4, %mul3A_2] : memref<4x8192xi32, #tpu.memory_space<hbm>> -> memref<1x256xi32, #tpu.memory_space<hbm>>
      %dma_wait3A_254 = tpu.memref_squeeze %dma_wait3A_253 : memref<1x256xi32, #tpu.memory_space<hbm>> -> memref<256xi32, #tpu.memory_space<hbm>>
      %dma_wait3A_255 = arith.constant 0 : i32
      %dma_wait3A_256 = tpu.memref_slice %arg6[%run_scoped3A_5, %dma_wait3A_255] : memref<4x256xi32, #tpu.memory_space<vmem>> -> memref<1x256xi32, #tpu.memory_space<vmem>>
      %dma_wait3A_257 = tpu.memref_squeeze %dma_wait3A_256 : memref<1x256xi32, #tpu.memory_space<vmem>> -> memref<256xi32, #tpu.memory_space<vmem>>
      %dma_wait3A_258 = tpu.memref_slice %arg2[%run_scoped3A_4, %mul3A_2] : memref<4x8192xi32, #tpu.memory_space<hbm>> -> memref<1x256xi32, #tpu.memory_space<hbm>>
      %dma_wait3A_259 = tpu.memref_squeeze %dma_wait3A_258 : memref<1x256xi32, #tpu.memory_space<hbm>> -> memref<256xi32, #tpu.memory_space<hbm>>
      tpu.wait_dma2 semaphore(%run_scoped3A_239 : memref<!tpu.dma_semaphore, #tpu.memory_space<semaphore_mem>>) src(%dma_wait3A_259 : memref<256xi32, #tpu.memory_space<hbm>>) dst(%dma_wait3A_257 : memref<256xi32, #tpu.memory_space<vmem>>)
      tpu.yield
    }) : () -> ()
    %run_scoped3A_6 = arith.constant 2 : i32
    %run_scoped3A_7 = arith.constant 2 : i32
    "tpu.region"() ({
      %run_scoped3A_239 = tpu.sem_alloc : memref<!tpu.dma_semaphore, #tpu.memory_space<semaphore_mem>>
      %dma_start3A_240 = arith.constant 0 : i32
      %dma_start3A_241 = tpu.memref_slice %arg6[%run_scoped3A_7, %dma_start3A_240] : memref<4x256xi32, #tpu.memory_space<vmem>> -> memref<1x256xi32, #tpu.memory_space<vmem>>
      %dma_start3A_242 = tpu.memref_squeeze %dma_start3A_241 : memref<1x256xi32, #tpu.memory_space<vmem>> -> memref<256xi32, #tpu.memory_space<vmem>>
      %dma_start3A_243 = tpu.memref_slice %arg2[%run_scoped3A_6, %mul3A_2] : memref<4x8192xi32, #tpu.memory_space<hbm>> -> memref<1x256xi32, #tpu.memory_space<hbm>>
      %dma_start3A_244 = tpu.memref_squeeze %dma_start3A_243 : memref<1x256xi32, #tpu.memory_space<hbm>> -> memref<256xi32, #tpu.memory_space<hbm>>
      %dma_start3A_245 = arith.constant 0 : i32
      %dma_start3A_246 = tpu.memref_slice %arg6[%run_scoped3A_7, %dma_start3A_245] : memref<4x256xi32, #tpu.memory_space<vmem>> -> memref<1x256xi32, #tpu.memory_space<vmem>>
      %dma_start3A_247 = tpu.memref_squeeze %dma_start3A_246 : memref<1x256xi32, #tpu.memory_space<vmem>> -> memref<256xi32, #tpu.memory_space<vmem>>
      %dma_start3A_248 = tpu.memref_slice %arg2[%run_scoped3A_6, %mul3A_2] : memref<4x8192xi32, #tpu.memory_space<hbm>> -> memref<1x256xi32, #tpu.memory_space<hbm>>
      %dma_start3A_249 = tpu.memref_squeeze %dma_start3A_248 : memref<1x256xi32, #tpu.memory_space<hbm>> -> memref<256xi32, #tpu.memory_space<hbm>>
      tpu.enqueue_dma source(%dma_start3A_249 : memref<256xi32, #tpu.memory_space<hbm>>) target(%dma_start3A_247 : memref<256xi32, #tpu.memory_space<vmem>>) target_semaphore(%run_scoped3A_239 : memref<!tpu.dma_semaphore, #tpu.memory_space<semaphore_mem>>)
      %dma_wait3A_250 = arith.constant 0 : i32
      %dma_wait3A_251 = tpu.memref_slice %arg6[%run_scoped3A_7, %dma_wait3A_250] : memref<4x256xi32, #tpu.memory_space<vmem>> -> memref<1x256xi32, #tpu.memory_space<vmem>>
      %dma_wait3A_252 = tpu.memref_squeeze %dma_wait3A_251 : memref<1x256xi32, #tpu.memory_space<vmem>> -> memref<256xi32, #tpu.memory_space<vmem>>
      %dma_wait3A_253 = tpu.memref_slice %arg2[%run_scoped3A_6, %mul3A_2] : memref<4x8192xi32, #tpu.memory_space<hbm>> -> memref<1x256xi32, #tpu.memory_space<hbm>>
      %dma_wait3A_254 = tpu.memref_squeeze %dma_wait3A_253 : memref<1x256xi32, #tpu.memory_space<hbm>> -> memref<256xi32, #tpu.memory_space<hbm>>
      %dma_wait3A_255 = arith.constant 0 : i32
      %dma_wait3A_256 = tpu.memref_slice %arg6[%run_scoped3A_7, %dma_wait3A_255] : memref<4x256xi32, #tpu.memory_space<vmem>> -> memref<1x256xi32, #tpu.memory_space<vmem>>
      %dma_wait3A_257 = tpu.memref_squeeze %dma_wait3A_256 : memref<1x256xi32, #tpu.memory_space<vmem>> -> memref<256xi32, #tpu.memory_space<vmem>>
      %dma_wait3A_258 = tpu.memref_slice %arg2[%run_scoped3A_6, %mul3A_2] : memref<4x8192xi32, #tpu.memory_space<hbm>> -> memref<1x256xi32, #tpu.memory_space<hbm>>
      %dma_wait3A_259 = tpu.memref_squeeze %dma_wait3A_258 : memref<1x256xi32, #tpu.memory_space<hbm>> -> memref<256xi32, #tpu.memory_space<hbm>>
      tpu.wait_dma2 semaphore(%run_scoped3A_239 : memref<!tpu.dma_semaphore, #tpu.memory_space<semaphore_mem>>) src(%dma_wait3A_259 : memref<256xi32, #tpu.memory_space<hbm>>) dst(%dma_wait3A_257 : memref<256xi32, #tpu.memory_space<vmem>>)
      tpu.yield
    }) : () -> ()
    %run_scoped3A_8 = arith.constant 3 : i32
    %run_scoped3A_9 = arith.constant 3 : i32
    "tpu.region"() ({
      %run_scoped3A_239 = tpu.sem_alloc : memref<!tpu.dma_semaphore, #tpu.memory_space<semaphore_mem>>
      %dma_start3A_240 = arith.constant 0 : i32
      %dma_start3A_241 = tpu.memref_slice %arg6[%run_scoped3A_9, %dma_start3A_240] : memref<4x256xi32, #tpu.memory_space<vmem>> -> memref<1x256xi32, #tpu.memory_space<vmem>>
      %dma_start3A_242 = tpu.memref_squeeze %dma_start3A_241 : memref<1x256xi32, #tpu.memory_space<vmem>> -> memref<256xi32, #tpu.memory_space<vmem>>
      %dma_start3A_243 = tpu.memref_slice %arg2[%run_scoped3A_8, %mul3A_2] : memref<4x8192xi32, #tpu.memory_space<hbm>> -> memref<1x256xi32, #tpu.memory_space<hbm>>
      %dma_start3A_244 = tpu.memref_squeeze %dma_start3A_243 : memref<1x256xi32, #tpu.memory_space<hbm>> -> memref<256xi32, #tpu.memory_space<hbm>>
      %dma_start3A_245 = arith.constant 0 : i32
      %dma_start3A_246 = tpu.memref_slice %arg6[%run_scoped3A_9, %dma_start3A_245] : memref<4x256xi32, #tpu.memory_space<vmem>> -> memref<1x256xi32, #tpu.memory_space<vmem>>
      %dma_start3A_247 = tpu.memref_squeeze %dma_start3A_246 : memref<1x256xi32, #tpu.memory_space<vmem>> -> memref<256xi32, #tpu.memory_space<vmem>>
      %dma_start3A_248 = tpu.memref_slice %arg2[%run_scoped3A_8, %mul3A_2] : memref<4x8192xi32, #tpu.memory_space<hbm>> -> memref<1x256xi32, #tpu.memory_space<hbm>>
      %dma_start3A_249 = tpu.memref_squeeze %dma_start3A_248 : memref<1x256xi32, #tpu.memory_space<hbm>> -> memref<256xi32, #tpu.memory_space<hbm>>
      tpu.enqueue_dma source(%dma_start3A_249 : memref<256xi32, #tpu.memory_space<hbm>>) target(%dma_start3A_247 : memref<256xi32, #tpu.memory_space<vmem>>) target_semaphore(%run_scoped3A_239 : memref<!tpu.dma_semaphore, #tpu.memory_space<semaphore_mem>>)
      %dma_wait3A_250 = arith.constant 0 : i32
      %dma_wait3A_251 = tpu.memref_slice %arg6[%run_scoped3A_9, %dma_wait3A_250] : memref<4x256xi32, #tpu.memory_space<vmem>> -> memref<1x256xi32, #tpu.memory_space<vmem>>
      %dma_wait3A_252 = tpu.memref_squeeze %dma_wait3A_251 : memref<1x256xi32, #tpu.memory_space<vmem>> -> memref<256xi32, #tpu.memory_space<vmem>>
      %dma_wait3A_253 = tpu.memref_slice %arg2[%run_scoped3A_8, %mul3A_2] : memref<4x8192xi32, #tpu.memory_space<hbm>> -> memref<1x256xi32, #tpu.memory_space<hbm>>
      %dma_wait3A_254 = tpu.memref_squeeze %dma_wait3A_253 : memref<1x256xi32, #tpu.memory_space<hbm>> -> memref<256xi32, #tpu.memory_space<hbm>>
      %dma_wait3A_255 = arith.constant 0 : i32
      %dma_wait3A_256 = tpu.memref_slice %arg6[%run_scoped3A_9, %dma_wait3A_255] : memref<4x256xi32, #tpu.memory_space<vmem>> -> memref<1x256xi32, #tpu.memory_space<vmem>>
      %dma_wait3A_257 = tpu.memref_squeeze %dma_wait3A_256 : memref<1x256xi32, #tpu.memory_space<vmem>> -> memref<256xi32, #tpu.memory_space<vmem>>
      %dma_wait3A_258 = tpu.memref_slice %arg2[%run_scoped3A_8, %mul3A_2] : memref<4x8192xi32, #tpu.memory_space<hbm>> -> memref<1x256xi32, #tpu.memory_space<hbm>>
      %dma_wait3A_259 = tpu.memref_squeeze %dma_wait3A_258 : memref<1x256xi32, #tpu.memory_space<hbm>> -> memref<256xi32, #tpu.memory_space<hbm>>
      tpu.wait_dma2 semaphore(%run_scoped3A_239 : memref<!tpu.dma_semaphore, #tpu.memory_space<semaphore_mem>>) src(%dma_wait3A_259 : memref<256xi32, #tpu.memory_space<hbm>>) dst(%dma_wait3A_257 : memref<256xi32, #tpu.memory_space<vmem>>)
      tpu.yield
    }) : () -> ()
    %add3A_10 = arith.constant 0 : i32
    %add3A_11 = arith.addi %mul3A_2, %add3A_10 : i32
    %dma_start3A = arith.constant 0 : i32
    %dma_start3A_12 = arith.constant 0 : i32
    %dma_start3A_13 = arith.constant 0 : i32
    %dma_start3A_14 = tpu.memref_slice %arg8[%dma_start3A, %dma_start3A_12, %dma_start3A_13] : memref<2x8x1024xf32, #tpu.memory_space<vmem>> -> memref<1x8x1024xf32, #tpu.memory_space<vmem>>
    %dma_start3A_15 = tpu.memref_squeeze %dma_start3A_14 : memref<1x8x1024xf32, #tpu.memory_space<vmem>> -> memref<8x1024xf32, #tpu.memory_space<vmem>>
    %dma_start3A_16 = arith.constant 0 : i32
    %dma_start3A_17 = tpu.memref_slice %arg4[%add3A_11, %dma_start3A_16] : memref<8192x1024xf32, #tpu.memory_space<hbm>> -> memref<8x1024xf32, #tpu.memory_space<hbm>>
    %dma_start3A_18 = arith.constant 0 : i32
    %dma_start3A_19 = arith.constant 0 : i32
    %dma_start3A_20 = tpu.memref_slice %arg8[%dma_start3A, %dma_start3A_18, %dma_start3A_19] : memref<2x8x1024xf32, #tpu.memory_space<vmem>> -> memref<1x8x1024xf32, #tpu.memory_space<vmem>>
    %dma_start3A_21 = tpu.memref_squeeze %dma_start3A_20 : memref<1x8x1024xf32, #tpu.memory_space<vmem>> -> memref<8x1024xf32, #tpu.memory_space<vmem>>
    %dma_start3A_22 = arith.constant 0 : i32
    %dma_start3A_23 = tpu.memref_slice %arg4[%add3A_11, %dma_start3A_22] : memref<8192x1024xf32, #tpu.memory_space<hbm>> -> memref<8x1024xf32, #tpu.memory_space<hbm>>
    tpu.enqueue_dma source(%dma_start3A_23 : memref<8x1024xf32, #tpu.memory_space<hbm>>) target(%dma_start3A_21 : memref<8x1024xf32, #tpu.memory_space<vmem>>) target_semaphore(%arg9 : memref<!tpu.dma_semaphore, #tpu.memory_space<semaphore_mem>>)
    %dma_start3A_24 = arith.constant 0 : i32
    %dma_start3A_25 = arith.constant 0 : i32
    %dma_start3A_26 = arith.constant 0 : i32
    %dma_start3A_27 = arith.constant 0 : i32
    %dma_start3A_28 = arith.constant 0 : i32
    %dma_start3A_29 = tpu.memref_slice %arg7[%dma_start3A_25, %dma_start3A_26, %dma_start3A_27, %dma_start3A_28] : memref<3x4x8x1024xf32, #tpu.memory_space<vmem>> -> memref<1x1x8x1024xf32, #tpu.memory_space<vmem>>
    %dma_start3A_30 = tpu.memref_squeeze %dma_start3A_29 : memref<1x1x8x1024xf32, #tpu.memory_space<vmem>> -> memref<8x1024xf32, #tpu.memory_space<vmem>>
    %dma_start3A_31 = arith.constant 0 : i32
    %dma_start3A_32 = tpu.memref_slice %arg6[%dma_start3A_24, %dma_start3A_31] : memref<4x256xi32, #tpu.memory_space<vmem>> -> memref<1x8xi32, #tpu.memory_space<vmem>>
    %dma_start3A_33 = tpu.memref_squeeze %dma_start3A_32 : memref<1x8xi32, #tpu.memory_space<vmem>> -> memref<8xi32, #tpu.memory_space<vmem>>
    %dma_start3A_34 = arith.constant 0 : i32
    %dma_start3A_35 = arith.constant 0 : i32
    %dma_start3A_36 = tpu.memref_slice %arg3[%dma_start3A_34, %dma_start3A_35] : memref<100000x1024xf32, #tpu.memory_space<hbm>> -> memref<100000x1024xf32, #tpu.memory_space<hbm>>
    tpu.enqueue_indirect_dma source(%dma_start3A_36 : memref<100000x1024xf32, #tpu.memory_space<hbm>>) target(%dma_start3A_30 : memref<8x1024xf32, #tpu.memory_space<vmem>>) offsets(%dma_start3A_33 : memref<8xi32, #tpu.memory_space<vmem>>) semaphore(%arg10 : memref<!tpu.dma_semaphore, #tpu.memory_space<semaphore_mem>>)
    %dma_start3A_37 = arith.constant 1 : i32
    %dma_start3A_38 = arith.constant 0 : i32
    %dma_start3A_39 = arith.constant 1 : i32
    %dma_start3A_40 = arith.constant 0 : i32
    %dma_start3A_41 = arith.constant 0 : i32
    %dma_start3A_42 = tpu.memref_slice %arg7[%dma_start3A_38, %dma_start3A_39, %dma_start3A_40, %dma_start3A_41] : memref<3x4x8x1024xf32, #tpu.memory_space<vmem>> -> memref<1x1x8x1024xf32, #tpu.memory_space<vmem>>
    %dma_start3A_43 = tpu.memref_squeeze %dma_start3A_42 : memref<1x1x8x1024xf32, #tpu.memory_space<vmem>> -> memref<8x1024xf32, #tpu.memory_space<vmem>>
    %dma_start3A_44 = arith.constant 0 : i32
    %dma_start3A_45 = tpu.memref_slice %arg6[%dma_start3A_37, %dma_start3A_44] : memref<4x256xi32, #tpu.memory_space<vmem>> -> memref<1x8xi32, #tpu.memory_space<vmem>>
    %dma_start3A_46 = tpu.memref_squeeze %dma_start3A_45 : memref<1x8xi32, #tpu.memory_space<vmem>> -> memref<8xi32, #tpu.memory_space<vmem>>
    %dma_start3A_47 = arith.constant 0 : i32
    %dma_start3A_48 = arith.constant 0 : i32
    %dma_start3A_49 = tpu.memref_slice %arg3[%dma_start3A_47, %dma_start3A_48] : memref<100000x1024xf32, #tpu.memory_space<hbm>> -> memref<100000x1024xf32, #tpu.memory_space<hbm>>
    tpu.enqueue_indirect_dma source(%dma_start3A_49 : memref<100000x1024xf32, #tpu.memory_space<hbm>>) target(%dma_start3A_43 : memref<8x1024xf32, #tpu.memory_space<vmem>>) offsets(%dma_start3A_46 : memref<8xi32, #tpu.memory_space<vmem>>) semaphore(%arg11 : memref<!tpu.dma_semaphore, #tpu.memory_space<semaphore_mem>>)
    %dma_start3A_50 = arith.constant 2 : i32
    %dma_start3A_51 = arith.constant 0 : i32
    %dma_start3A_52 = arith.constant 2 : i32
    %dma_start3A_53 = arith.constant 0 : i32
    %dma_start3A_54 = arith.constant 0 : i32
    %dma_start3A_55 = tpu.memref_slice %arg7[%dma_start3A_51, %dma_start3A_52, %dma_start3A_53, %dma_start3A_54] : memref<3x4x8x1024xf32, #tpu.memory_space<vmem>> -> memref<1x1x8x1024xf32, #tpu.memory_space<vmem>>
    %dma_start3A_56 = tpu.memref_squeeze %dma_start3A_55 : memref<1x1x8x1024xf32, #tpu.memory_space<vmem>> -> memref<8x1024xf32, #tpu.memory_space<vmem>>
    %dma_start3A_57 = arith.constant 0 : i32
    %dma_start3A_58 = tpu.memref_slice %arg6[%dma_start3A_50, %dma_start3A_57] : memref<4x256xi32, #tpu.memory_space<vmem>> -> memref<1x8xi32, #tpu.memory_space<vmem>>
    %dma_start3A_59 = tpu.memref_squeeze %dma_start3A_58 : memref<1x8xi32, #tpu.memory_space<vmem>> -> memref<8xi32, #tpu.memory_space<vmem>>
    %dma_start3A_60 = arith.constant 0 : i32
    %dma_start3A_61 = arith.constant 0 : i32
    %dma_start3A_62 = tpu.memref_slice %arg3[%dma_start3A_60, %dma_start3A_61] : memref<100000x1024xf32, #tpu.memory_space<hbm>> -> memref<100000x1024xf32, #tpu.memory_space<hbm>>
    tpu.enqueue_indirect_dma source(%dma_start3A_62 : memref<100000x1024xf32, #tpu.memory_space<hbm>>) target(%dma_start3A_56 : memref<8x1024xf32, #tpu.memory_space<vmem>>) offsets(%dma_start3A_59 : memref<8xi32, #tpu.memory_space<vmem>>) semaphore(%arg12 : memref<!tpu.dma_semaphore, #tpu.memory_space<semaphore_mem>>)
    %dma_start3A_63 = arith.constant 3 : i32
    %dma_start3A_64 = arith.constant 0 : i32
    %dma_start3A_65 = arith.constant 3 : i32
    %dma_start3A_66 = arith.constant 0 : i32
    %dma_start3A_67 = arith.constant 0 : i32
    %dma_start3A_68 = tpu.memref_slice %arg7[%dma_start3A_64, %dma_start3A_65, %dma_start3A_66, %dma_start3A_67] : memref<3x4x8x1024xf32, #tpu.memory_space<vmem>> -> memref<1x1x8x1024xf32, #tpu.memory_space<vmem>>
    %dma_start3A_69 = tpu.memref_squeeze %dma_start3A_68 : memref<1x1x8x1024xf32, #tpu.memory_space<vmem>> -> memref<8x1024xf32, #tpu.memory_space<vmem>>
    %dma_start3A_70 = arith.constant 0 : i32
    %dma_start3A_71 = tpu.memref_slice %arg6[%dma_start3A_63, %dma_start3A_70] : memref<4x256xi32, #tpu.memory_space<vmem>> -> memref<1x8xi32, #tpu.memory_space<vmem>>
    %dma_start3A_72 = tpu.memref_squeeze %dma_start3A_71 : memref<1x8xi32, #tpu.memory_space<vmem>> -> memref<8xi32, #tpu.memory_space<vmem>>
    %dma_start3A_73 = arith.constant 0 : i32
    %dma_start3A_74 = arith.constant 0 : i32
    %dma_start3A_75 = tpu.memref_slice %arg3[%dma_start3A_73, %dma_start3A_74] : memref<100000x1024xf32, #tpu.memory_space<hbm>> -> memref<100000x1024xf32, #tpu.memory_space<hbm>>
    tpu.enqueue_indirect_dma source(%dma_start3A_75 : memref<100000x1024xf32, #tpu.memory_space<hbm>>) target(%dma_start3A_69 : memref<8x1024xf32, #tpu.memory_space<vmem>>) offsets(%dma_start3A_72 : memref<8xi32, #tpu.memory_space<vmem>>) semaphore(%arg13 : memref<!tpu.dma_semaphore, #tpu.memory_space<semaphore_mem>>)
    %scan3A = arith.constant 0 : i32
    %scan3A_76 = arith.constant 0 : i32
    %scan3A_77 = arith.constant 32 : i32
    %scan3A_78 = arith.addi %scan3A_76, %scan3A_77 : i32
    %scan3A_79 = arith.constant 1 : i32
    scf.for %scan3A_239 = %scan3A_76 to %scan3A_78 step %scan3A_79  : i32 {
      %rem3A_240 = arith.constant 2 : i32
      %rem3A_241 = arith.remsi %scan3A_239, %rem3A_240 : i32
      %rem3A_242 = arith.constant 3 : i32
      %rem3A_243 = arith.remsi %scan3A_239, %rem3A_242 : i32
      %add3A_244 = arith.constant 1 : i32
      %add3A_245 = arith.addi %scan3A_239, %add3A_244 : i32
      %rem3A_246 = arith.constant 3 : i32
      %rem3A_247 = arith.remsi %add3A_245, %rem3A_246 : i32
      %mul3A_248 = arith.constant 8 : i32
      %mul3A_249 = arith.muli %scan3A_239, %mul3A_248 : i32
      %add3A_250 = arith.addi %mul3A_2, %mul3A_249 : i32
      %dma_wait3A_251 = arith.constant 0 : i32
      %dma_wait3A_252 = arith.constant 0 : i32
      %dma_wait3A_253 = tpu.memref_slice %arg8[%rem3A_241, %dma_wait3A_251, %dma_wait3A_252] : memref<2x8x1024xf32, #tpu.memory_space<vmem>> -> memref<1x8x1024xf32, #tpu.memory_space<vmem>>
      %dma_wait3A_254 = tpu.memref_squeeze %dma_wait3A_253 : memref<1x8x1024xf32, #tpu.memory_space<vmem>> -> memref<8x1024xf32, #tpu.memory_space<vmem>>
      %dma_wait3A_255 = arith.constant 0 : i32
      %dma_wait3A_256 = tpu.memref_slice %arg4[%add3A_250, %dma_wait3A_255] : memref<8192x1024xf32, #tpu.memory_space<hbm>> -> memref<8x1024xf32, #tpu.memory_space<hbm>>
      %dma_wait3A_257 = arith.constant 0 : i32
      %dma_wait3A_258 = arith.constant 0 : i32
      %dma_wait3A_259 = tpu.memref_slice %arg8[%rem3A_241, %dma_wait3A_257, %dma_wait3A_258] : memref<2x8x1024xf32, #tpu.memory_space<vmem>> -> memref<1x8x1024xf32, #tpu.memory_space<vmem>>
      %dma_wait3A_260 = tpu.memref_squeeze %dma_wait3A_259 : memref<1x8x1024xf32, #tpu.memory_space<vmem>> -> memref<8x1024xf32, #tpu.memory_space<vmem>>
      %dma_wait3A_261 = arith.constant 0 : i32
      %dma_wait3A_262 = tpu.memref_slice %arg4[%add3A_250, %dma_wait3A_261] : memref<8192x1024xf32, #tpu.memory_space<hbm>> -> memref<8x1024xf32, #tpu.memory_space<hbm>>
      tpu.wait_dma2 semaphore(%arg9 : memref<!tpu.dma_semaphore, #tpu.memory_space<semaphore_mem>>) src(%dma_wait3A_262 : memref<8x1024xf32, #tpu.memory_space<hbm>>) dst(%dma_wait3A_260 : memref<8x1024xf32, #tpu.memory_space<vmem>>)
      %add3A_263 = arith.constant 1 : i32
      %add3A_264 = arith.addi %scan3A_239, %add3A_263 : i32
      %lt3A = arith.constant 32 : i32
      %lt3A_265 = arith.cmpi slt, %add3A_264, %lt3A : i32
      %convert_element_type3A = arith.extui %lt3A_265 : i1 to i32
      %cond3A = arith.constant 0 : i32
      %cond3A_266 = arith.cmpi ne, %convert_element_type3A, %cond3A : i32
      scf.if %cond3A_266 {
        %add3A_440 = arith.constant 1 : i32
        %add3A_441 = arith.addi %scan3A_239, %add3A_440 : i32
        %add3A_442 = arith.constant 1 : i32
        %add3A_443 = arith.addi %scan3A_239, %add3A_442 : i32
        %rem3A_444 = arith.constant 2 : i32
        %rem3A_445 = arith.remsi %add3A_443, %rem3A_444 : i32
        %mul3A_446 = arith.constant 8 : i32
        %mul3A_447 = arith.muli %add3A_441, %mul3A_446 : i32
        %add3A_448 = arith.addi %mul3A_2, %mul3A_447 : i32
        %dma_start3A_449 = arith.constant 0 : i32
        %dma_start3A_450 = arith.constant 0 : i32
        %dma_start3A_451 = tpu.memref_slice %arg8[%rem3A_445, %dma_start3A_449, %dma_start3A_450] : memref<2x8x1024xf32, #tpu.memory_space<vmem>> -> memref<1x8x1024xf32, #tpu.memory_space<vmem>>
        %dma_start3A_452 = tpu.memref_squeeze %dma_start3A_451 : memref<1x8x1024xf32, #tpu.memory_space<vmem>> -> memref<8x1024xf32, #tpu.memory_space<vmem>>
        %dma_start3A_453 = arith.constant 0 : i32
        %dma_start3A_454 = tpu.memref_slice %arg4[%add3A_448, %dma_start3A_453] : memref<8192x1024xf32, #tpu.memory_space<hbm>> -> memref<8x1024xf32, #tpu.memory_space<hbm>>
        %dma_start3A_455 = arith.constant 0 : i32
        %dma_start3A_456 = arith.constant 0 : i32
        %dma_start3A_457 = tpu.memref_slice %arg8[%rem3A_445, %dma_start3A_455, %dma_start3A_456] : memref<2x8x1024xf32, #tpu.memory_space<vmem>> -> memref<1x8x1024xf32, #tpu.memory_space<vmem>>
        %dma_start3A_458 = tpu.memref_squeeze %dma_start3A_457 : memref<1x8x1024xf32, #tpu.memory_space<vmem>> -> memref<8x1024xf32, #tpu.memory_space<vmem>>
        %dma_start3A_459 = arith.constant 0 : i32
        %dma_start3A_460 = tpu.memref_slice %arg4[%add3A_448, %dma_start3A_459] : memref<8192x1024xf32, #tpu.memory_space<hbm>> -> memref<8x1024xf32, #tpu.memory_space<hbm>>
        tpu.enqueue_dma source(%dma_start3A_460 : memref<8x1024xf32, #tpu.memory_space<hbm>>) target(%dma_start3A_458 : memref<8x1024xf32, #tpu.memory_space<vmem>>) target_semaphore(%arg9 : memref<!tpu.dma_semaphore, #tpu.memory_space<semaphore_mem>>)
      } else {
      }
      %ge3A = arith.constant 2 : i32
      %ge3A_267 = arith.cmpi sge, %scan3A_239, %ge3A : i32
      %convert_element_type3A_268 = arith.extui %ge3A_267 : i1 to i32
      %cond3A_269 = arith.constant 0 : i32
      %cond3A_270 = arith.cmpi ne, %convert_element_type3A_268, %cond3A_269 : i32
      scf.if %cond3A_270 {
        %sub3A = arith.constant 2 : i32
        %sub3A_440 = arith.subi %scan3A_239, %sub3A : i32
        %add3A_441 = arith.constant 0 : i32
        %add3A_442 = arith.addi %add3A_441, %mul3A_2 : i32
        %mul3A_443 = arith.constant 8 : i32
        %mul3A_444 = arith.muli %sub3A_440, %mul3A_443 : i32
        %add3A_445 = arith.addi %add3A_442, %mul3A_444 : i32
        %dma_wait3A_446 = arith.constant 0 : i32
        %dma_wait3A_447 = arith.constant 0 : i32
        %dma_wait3A_448 = arith.constant 0 : i32
        %dma_wait3A_449 = tpu.memref_slice %arg7[%rem3A_247, %dma_wait3A_446, %dma_wait3A_447, %dma_wait3A_448] : memref<3x4x8x1024xf32, #tpu.memory_space<vmem>> -> memref<1x1x8x1024xf32, #tpu.memory_space<vmem>>
        %dma_wait3A_450 = tpu.memref_squeeze %dma_wait3A_449 : memref<1x1x8x1024xf32, #tpu.memory_space<vmem>> -> memref<8x1024xf32, #tpu.memory_space<vmem>>
        %dma_wait3A_451 = arith.constant 0 : i32
        %dma_wait3A_452 = tpu.memref_slice %arg5[%add3A_445, %dma_wait3A_451] : memref<32768x1024xf32, #tpu.memory_space<hbm>> -> memref<8x1024xf32, #tpu.memory_space<hbm>>
        %dma_wait3A_453 = arith.constant 0 : i32
        %dma_wait3A_454 = tpu.memref_slice %arg5[%add3A_445, %dma_wait3A_453] : memref<32768x1024xf32, #tpu.memory_space<hbm>> -> memref<8x1024xf32, #tpu.memory_space<hbm>>
        %dma_wait3A_455 = arith.constant 0 : i32
        %dma_wait3A_456 = arith.constant 0 : i32
        %dma_wait3A_457 = tpu.memref_slice %arg7[%rem3A_247, %dma_wait3A_446, %dma_wait3A_455, %dma_wait3A_456] : memref<3x4x8x1024xf32, #tpu.memory_space<vmem>> -> memref<1x1x8x1024xf32, #tpu.memory_space<vmem>>
        %dma_wait3A_458 = tpu.memref_squeeze %dma_wait3A_457 : memref<1x1x8x1024xf32, #tpu.memory_space<vmem>> -> memref<8x1024xf32, #tpu.memory_space<vmem>>
        tpu.wait_dma2 semaphore(%arg14 : memref<!tpu.dma_semaphore, #tpu.memory_space<semaphore_mem>>) src(%dma_wait3A_458 : memref<8x1024xf32, #tpu.memory_space<vmem>>) dst(%dma_wait3A_454 : memref<8x1024xf32, #tpu.memory_space<hbm>>)
      } else {
      }
      %mul3A_271 = arith.constant 8 : i32
      %mul3A_272 = arith.muli %scan3A_239, %mul3A_271 : i32
      %dma_wait3A_273 = arith.constant 0 : i32
      %dma_wait3A_274 = arith.constant 0 : i32
      %dma_wait3A_275 = arith.constant 0 : i32
      %dma_wait3A_276 = arith.constant 0 : i32
      %dma_wait3A_277 = tpu.memref_slice %arg7[%rem3A_243, %dma_wait3A_274, %dma_wait3A_275, %dma_wait3A_276] : memref<3x4x8x1024xf32, #tpu.memory_space<vmem>> -> memref<1x1x8x1024xf32, #tpu.memory_space<vmem>>
      %dma_wait3A_278 = tpu.memref_squeeze %dma_wait3A_277 : memref<1x1x8x1024xf32, #tpu.memory_space<vmem>> -> memref<8x1024xf32, #tpu.memory_space<vmem>>
      %dma_wait3A_279 = tpu.memref_slice %arg6[%dma_wait3A_273, %mul3A_272] : memref<4x256xi32, #tpu.memory_space<vmem>> -> memref<1x8xi32, #tpu.memory_space<vmem>>
      %dma_wait3A_280 = tpu.memref_squeeze %dma_wait3A_279 : memref<1x8xi32, #tpu.memory_space<vmem>> -> memref<8xi32, #tpu.memory_space<vmem>>
      %dma_wait3A_281 = arith.constant 0 : i32
      %dma_wait3A_282 = arith.constant 0 : i32
      %dma_wait3A_283 = tpu.memref_slice %arg3[%dma_wait3A_281, %dma_wait3A_282] : memref<100000x1024xf32, #tpu.memory_space<hbm>> -> memref<100000x1024xf32, #tpu.memory_space<hbm>>
      tpu.wait_indirect_dma semaphore(%arg10 : memref<!tpu.dma_semaphore, #tpu.memory_space<semaphore_mem>>) src(%dma_wait3A_283 : memref<100000x1024xf32, #tpu.memory_space<hbm>>) dst(%dma_wait3A_278 : memref<8x1024xf32, #tpu.memory_space<vmem>>)
      %add3A_284 = arith.constant 1 : i32
      %add3A_285 = arith.addi %scan3A_239, %add3A_284 : i32
      %lt3A_286 = arith.constant 32 : i32
      %lt3A_287 = arith.cmpi slt, %add3A_285, %lt3A_286 : i32
      %convert_element_type3A_288 = arith.extui %lt3A_287 : i1 to i32
      %cond3A_289 = arith.constant 0 : i32
      %cond3A_290 = arith.cmpi ne, %convert_element_type3A_288, %cond3A_289 : i32
      scf.if %cond3A_290 {
        %add3A_440 = arith.constant 1 : i32
        %add3A_441 = arith.addi %scan3A_239, %add3A_440 : i32
        %mul3A_442 = arith.constant 8 : i32
        %mul3A_443 = arith.muli %add3A_441, %mul3A_442 : i32
        %dma_start3A_444 = arith.constant 0 : i32
        %dma_start3A_445 = arith.constant 0 : i32
        %dma_start3A_446 = arith.constant 0 : i32
        %dma_start3A_447 = arith.constant 0 : i32
        %dma_start3A_448 = tpu.memref_slice %arg7[%rem3A_247, %dma_start3A_445, %dma_start3A_446, %dma_start3A_447] : memref<3x4x8x1024xf32, #tpu.memory_space<vmem>> -> memref<1x1x8x1024xf32, #tpu.memory_space<vmem>>
        %dma_start3A_449 = tpu.memref_squeeze %dma_start3A_448 : memref<1x1x8x1024xf32, #tpu.memory_space<vmem>> -> memref<8x1024xf32, #tpu.memory_space<vmem>>
        %dma_start3A_450 = tpu.memref_slice %arg6[%dma_start3A_444, %mul3A_443] : memref<4x256xi32, #tpu.memory_space<vmem>> -> memref<1x8xi32, #tpu.memory_space<vmem>>
        %dma_start3A_451 = tpu.memref_squeeze %dma_start3A_450 : memref<1x8xi32, #tpu.memory_space<vmem>> -> memref<8xi32, #tpu.memory_space<vmem>>
        %dma_start3A_452 = arith.constant 0 : i32
        %dma_start3A_453 = arith.constant 0 : i32
        %dma_start3A_454 = tpu.memref_slice %arg3[%dma_start3A_452, %dma_start3A_453] : memref<100000x1024xf32, #tpu.memory_space<hbm>> -> memref<100000x1024xf32, #tpu.memory_space<hbm>>
        tpu.enqueue_indirect_dma source(%dma_start3A_454 : memref<100000x1024xf32, #tpu.memory_space<hbm>>) target(%dma_start3A_449 : memref<8x1024xf32, #tpu.memory_space<vmem>>) offsets(%dma_start3A_451 : memref<8xi32, #tpu.memory_space<vmem>>) semaphore(%arg10 : memref<!tpu.dma_semaphore, #tpu.memory_space<semaphore_mem>>)
      } else {
      }
      %ge3A_291 = arith.constant 2 : i32
      %ge3A_292 = arith.cmpi sge, %scan3A_239, %ge3A_291 : i32
      %convert_element_type3A_293 = arith.extui %ge3A_292 : i1 to i32
      %cond3A_294 = arith.constant 0 : i32
      %cond3A_295 = arith.cmpi ne, %convert_element_type3A_293, %cond3A_294 : i32
      scf.if %cond3A_295 {
        %sub3A = arith.constant 2 : i32
        %sub3A_440 = arith.subi %scan3A_239, %sub3A : i32
        %add3A_441 = arith.constant 8192 : i32
        %add3A_442 = arith.addi %add3A_441, %mul3A_2 : i32
        %mul3A_443 = arith.constant 8 : i32
        %mul3A_444 = arith.muli %sub3A_440, %mul3A_443 : i32
        %add3A_445 = arith.addi %add3A_442, %mul3A_444 : i32
        %dma_wait3A_446 = arith.constant 1 : i32
        %dma_wait3A_447 = arith.constant 0 : i32
        %dma_wait3A_448 = arith.constant 0 : i32
        %dma_wait3A_449 = tpu.memref_slice %arg7[%rem3A_247, %dma_wait3A_446, %dma_wait3A_447, %dma_wait3A_448] : memref<3x4x8x1024xf32, #tpu.memory_space<vmem>> -> memref<1x1x8x1024xf32, #tpu.memory_space<vmem>>
        %dma_wait3A_450 = tpu.memref_squeeze %dma_wait3A_449 : memref<1x1x8x1024xf32, #tpu.memory_space<vmem>> -> memref<8x1024xf32, #tpu.memory_space<vmem>>
        %dma_wait3A_451 = arith.constant 0 : i32
        %dma_wait3A_452 = tpu.memref_slice %arg5[%add3A_445, %dma_wait3A_451] : memref<32768x1024xf32, #tpu.memory_space<hbm>> -> memref<8x1024xf32, #tpu.memory_space<hbm>>
        %dma_wait3A_453 = arith.constant 0 : i32
        %dma_wait3A_454 = tpu.memref_slice %arg5[%add3A_445, %dma_wait3A_453] : memref<32768x1024xf32, #tpu.memory_space<hbm>> -> memref<8x1024xf32, #tpu.memory_space<hbm>>
        %dma_wait3A_455 = arith.constant 0 : i32
        %dma_wait3A_456 = arith.constant 0 : i32
        %dma_wait3A_457 = tpu.memref_slice %arg7[%rem3A_247, %dma_wait3A_446, %dma_wait3A_455, %dma_wait3A_456] : memref<3x4x8x1024xf32, #tpu.memory_space<vmem>> -> memref<1x1x8x1024xf32, #tpu.memory_space<vmem>>
        %dma_wait3A_458 = tpu.memref_squeeze %dma_wait3A_457 : memref<1x1x8x1024xf32, #tpu.memory_space<vmem>> -> memref<8x1024xf32, #tpu.memory_space<vmem>>
        tpu.wait_dma2 semaphore(%arg15 : memref<!tpu.dma_semaphore, #tpu.memory_space<semaphore_mem>>) src(%dma_wait3A_458 : memref<8x1024xf32, #tpu.memory_space<vmem>>) dst(%dma_wait3A_454 : memref<8x1024xf32, #tpu.memory_space<hbm>>)
      } else {
      }
      %mul3A_296 = arith.constant 8 : i32
      %mul3A_297 = arith.muli %scan3A_239, %mul3A_296 : i32
      %dma_wait3A_298 = arith.constant 1 : i32
      %dma_wait3A_299 = arith.constant 1 : i32
      %dma_wait3A_300 = arith.constant 0 : i32
      %dma_wait3A_301 = arith.constant 0 : i32
      %dma_wait3A_302 = tpu.memref_slice %arg7[%rem3A_243, %dma_wait3A_299, %dma_wait3A_300, %dma_wait3A_301] : memref<3x4x8x1024xf32, #tpu.memory_space<vmem>> -> memref<1x1x8x1024xf32, #tpu.memory_space<vmem>>
      %dma_wait3A_303 = tpu.memref_squeeze %dma_wait3A_302 : memref<1x1x8x1024xf32, #tpu.memory_space<vmem>> -> memref<8x1024xf32, #tpu.memory_space<vmem>>
      %dma_wait3A_304 = tpu.memref_slice %arg6[%dma_wait3A_298, %mul3A_297] : memref<4x256xi32, #tpu.memory_space<vmem>> -> memref<1x8xi32, #tpu.memory_space<vmem>>
      %dma_wait3A_305 = tpu.memref_squeeze %dma_wait3A_304 : memref<1x8xi32, #tpu.memory_space<vmem>> -> memref<8xi32, #tpu.memory_space<vmem>>
      %dma_wait3A_306 = arith.constant 0 : i32
      %dma_wait3A_307 = arith.constant 0 : i32
      %dma_wait3A_308 = tpu.memref_slice %arg3[%dma_wait3A_306, %dma_wait3A_307] : memref<100000x1024xf32, #tpu.memory_space<hbm>> -> memref<100000x1024xf32, #tpu.memory_space<hbm>>
      tpu.wait_indirect_dma semaphore(%arg11 : memref<!tpu.dma_semaphore, #tpu.memory_space<semaphore_mem>>) src(%dma_wait3A_308 : memref<100000x1024xf32, #tpu.memory_space<hbm>>) dst(%dma_wait3A_303 : memref<8x1024xf32, #tpu.memory_space<vmem>>)
      %add3A_309 = arith.constant 1 : i32
      %add3A_310 = arith.addi %scan3A_239, %add3A_309 : i32
      %lt3A_311 = arith.constant 32 : i32
      %lt3A_312 = arith.cmpi slt, %add3A_310, %lt3A_311 : i32
      %convert_element_type3A_313 = arith.extui %lt3A_312 : i1 to i32
      %cond3A_314 = arith.constant 0 : i32
      %cond3A_315 = arith.cmpi ne, %convert_element_type3A_313, %cond3A_314 : i32
      scf.if %cond3A_315 {
        %add3A_440 = arith.constant 1 : i32
        %add3A_441 = arith.addi %scan3A_239, %add3A_440 : i32
        %mul3A_442 = arith.constant 8 : i32
        %mul3A_443 = arith.muli %add3A_441, %mul3A_442 : i32
        %dma_start3A_444 = arith.constant 1 : i32
        %dma_start3A_445 = arith.constant 1 : i32
        %dma_start3A_446 = arith.constant 0 : i32
        %dma_start3A_447 = arith.constant 0 : i32
        %dma_start3A_448 = tpu.memref_slice %arg7[%rem3A_247, %dma_start3A_445, %dma_start3A_446, %dma_start3A_447] : memref<3x4x8x1024xf32, #tpu.memory_space<vmem>> -> memref<1x1x8x1024xf32, #tpu.memory_space<vmem>>
        %dma_start3A_449 = tpu.memref_squeeze %dma_start3A_448 : memref<1x1x8x1024xf32, #tpu.memory_space<vmem>> -> memref<8x1024xf32, #tpu.memory_space<vmem>>
        %dma_start3A_450 = tpu.memref_slice %arg6[%dma_start3A_444, %mul3A_443] : memref<4x256xi32, #tpu.memory_space<vmem>> -> memref<1x8xi32, #tpu.memory_space<vmem>>
        %dma_start3A_451 = tpu.memref_squeeze %dma_start3A_450 : memref<1x8xi32, #tpu.memory_space<vmem>> -> memref<8xi32, #tpu.memory_space<vmem>>
        %dma_start3A_452 = arith.constant 0 : i32
        %dma_start3A_453 = arith.constant 0 : i32
        %dma_start3A_454 = tpu.memref_slice %arg3[%dma_start3A_452, %dma_start3A_453] : memref<100000x1024xf32, #tpu.memory_space<hbm>> -> memref<100000x1024xf32, #tpu.memory_space<hbm>>
        tpu.enqueue_indirect_dma source(%dma_start3A_454 : memref<100000x1024xf32, #tpu.memory_space<hbm>>) target(%dma_start3A_449 : memref<8x1024xf32, #tpu.memory_space<vmem>>) offsets(%dma_start3A_451 : memref<8xi32, #tpu.memory_space<vmem>>) semaphore(%arg11 : memref<!tpu.dma_semaphore, #tpu.memory_space<semaphore_mem>>)
      } else {
      }
      %ge3A_316 = arith.constant 2 : i32
      %ge3A_317 = arith.cmpi sge, %scan3A_239, %ge3A_316 : i32
      %convert_element_type3A_318 = arith.extui %ge3A_317 : i1 to i32
      %cond3A_319 = arith.constant 0 : i32
      %cond3A_320 = arith.cmpi ne, %convert_element_type3A_318, %cond3A_319 : i32
      scf.if %cond3A_320 {
        %sub3A = arith.constant 2 : i32
        %sub3A_440 = arith.subi %scan3A_239, %sub3A : i32
        %add3A_441 = arith.constant 16384 : i32
        %add3A_442 = arith.addi %add3A_441, %mul3A_2 : i32
        %mul3A_443 = arith.constant 8 : i32
        %mul3A_444 = arith.muli %sub3A_440, %mul3A_443 : i32
        %add3A_445 = arith.addi %add3A_442, %mul3A_444 : i32
        %dma_wait3A_446 = arith.constant 2 : i32
        %dma_wait3A_447 = arith.constant 0 : i32
        %dma_wait3A_448 = arith.constant 0 : i32
        %dma_wait3A_449 = tpu.memref_slice %arg7[%rem3A_247, %dma_wait3A_446, %dma_wait3A_447, %dma_wait3A_448] : memref<3x4x8x1024xf32, #tpu.memory_space<vmem>> -> memref<1x1x8x1024xf32, #tpu.memory_space<vmem>>
        %dma_wait3A_450 = tpu.memref_squeeze %dma_wait3A_449 : memref<1x1x8x1024xf32, #tpu.memory_space<vmem>> -> memref<8x1024xf32, #tpu.memory_space<vmem>>
        %dma_wait3A_451 = arith.constant 0 : i32
        %dma_wait3A_452 = tpu.memref_slice %arg5[%add3A_445, %dma_wait3A_451] : memref<32768x1024xf32, #tpu.memory_space<hbm>> -> memref<8x1024xf32, #tpu.memory_space<hbm>>
        %dma_wait3A_453 = arith.constant 0 : i32
        %dma_wait3A_454 = tpu.memref_slice %arg5[%add3A_445, %dma_wait3A_453] : memref<32768x1024xf32, #tpu.memory_space<hbm>> -> memref<8x1024xf32, #tpu.memory_space<hbm>>
        %dma_wait3A_455 = arith.constant 0 : i32
        %dma_wait3A_456 = arith.constant 0 : i32
        %dma_wait3A_457 = tpu.memref_slice %arg7[%rem3A_247, %dma_wait3A_446, %dma_wait3A_455, %dma_wait3A_456] : memref<3x4x8x1024xf32, #tpu.memory_space<vmem>> -> memref<1x1x8x1024xf32, #tpu.memory_space<vmem>>
        %dma_wait3A_458 = tpu.memref_squeeze %dma_wait3A_457 : memref<1x1x8x1024xf32, #tpu.memory_space<vmem>> -> memref<8x1024xf32, #tpu.memory_space<vmem>>
        tpu.wait_dma2 semaphore(%arg16 : memref<!tpu.dma_semaphore, #tpu.memory_space<semaphore_mem>>) src(%dma_wait3A_458 : memref<8x1024xf32, #tpu.memory_space<vmem>>) dst(%dma_wait3A_454 : memref<8x1024xf32, #tpu.memory_space<hbm>>)
      } else {
      }
      %mul3A_321 = arith.constant 8 : i32
      %mul3A_322 = arith.muli %scan3A_239, %mul3A_321 : i32
      %dma_wait3A_323 = arith.constant 2 : i32
      %dma_wait3A_324 = arith.constant 2 : i32
      %dma_wait3A_325 = arith.constant 0 : i32
      %dma_wait3A_326 = arith.constant 0 : i32
      %dma_wait3A_327 = tpu.memref_slice %arg7[%rem3A_243, %dma_wait3A_324, %dma_wait3A_325, %dma_wait3A_326] : memref<3x4x8x1024xf32, #tpu.memory_space<vmem>> -> memref<1x1x8x1024xf32, #tpu.memory_space<vmem>>
      %dma_wait3A_328 = tpu.memref_squeeze %dma_wait3A_327 : memref<1x1x8x1024xf32, #tpu.memory_space<vmem>> -> memref<8x1024xf32, #tpu.memory_space<vmem>>
      %dma_wait3A_329 = tpu.memref_slice %arg6[%dma_wait3A_323, %mul3A_322] : memref<4x256xi32, #tpu.memory_space<vmem>> -> memref<1x8xi32, #tpu.memory_space<vmem>>
      %dma_wait3A_330 = tpu.memref_squeeze %dma_wait3A_329 : memref<1x8xi32, #tpu.memory_space<vmem>> -> memref<8xi32, #tpu.memory_space<vmem>>
      %dma_wait3A_331 = arith.constant 0 : i32
      %dma_wait3A_332 = arith.constant 0 : i32
      %dma_wait3A_333 = tpu.memref_slice %arg3[%dma_wait3A_331, %dma_wait3A_332] : memref<100000x1024xf32, #tpu.memory_space<hbm>> -> memref<100000x1024xf32, #tpu.memory_space<hbm>>
      tpu.wait_indirect_dma semaphore(%arg12 : memref<!tpu.dma_semaphore, #tpu.memory_space<semaphore_mem>>) src(%dma_wait3A_333 : memref<100000x1024xf32, #tpu.memory_space<hbm>>) dst(%dma_wait3A_328 : memref<8x1024xf32, #tpu.memory_space<vmem>>)
      %add3A_334 = arith.constant 1 : i32
      %add3A_335 = arith.addi %scan3A_239, %add3A_334 : i32
      %lt3A_336 = arith.constant 32 : i32
      %lt3A_337 = arith.cmpi slt, %add3A_335, %lt3A_336 : i32
      %convert_element_type3A_338 = arith.extui %lt3A_337 : i1 to i32
      %cond3A_339 = arith.constant 0 : i32
      %cond3A_340 = arith.cmpi ne, %convert_element_type3A_338, %cond3A_339 : i32
      scf.if %cond3A_340 {
        %add3A_440 = arith.constant 1 : i32
        %add3A_441 = arith.addi %scan3A_239, %add3A_440 : i32
        %mul3A_442 = arith.constant 8 : i32
        %mul3A_443 = arith.muli %add3A_441, %mul3A_442 : i32
        %dma_start3A_444 = arith.constant 2 : i32
        %dma_start3A_445 = arith.constant 2 : i32
        %dma_start3A_446 = arith.constant 0 : i32
        %dma_start3A_447 = arith.constant 0 : i32
        %dma_start3A_448 = tpu.memref_slice %arg7[%rem3A_247, %dma_start3A_445, %dma_start3A_446, %dma_start3A_447] : memref<3x4x8x1024xf32, #tpu.memory_space<vmem>> -> memref<1x1x8x1024xf32, #tpu.memory_space<vmem>>
        %dma_start3A_449 = tpu.memref_squeeze %dma_start3A_448 : memref<1x1x8x1024xf32, #tpu.memory_space<vmem>> -> memref<8x1024xf32, #tpu.memory_space<vmem>>
        %dma_start3A_450 = tpu.memref_slice %arg6[%dma_start3A_444, %mul3A_443] : memref<4x256xi32, #tpu.memory_space<vmem>> -> memref<1x8xi32, #tpu.memory_space<vmem>>
        %dma_start3A_451 = tpu.memref_squeeze %dma_start3A_450 : memref<1x8xi32, #tpu.memory_space<vmem>> -> memref<8xi32, #tpu.memory_space<vmem>>
        %dma_start3A_452 = arith.constant 0 : i32
        %dma_start3A_453 = arith.constant 0 : i32
        %dma_start3A_454 = tpu.memref_slice %arg3[%dma_start3A_452, %dma_start3A_453] : memref<100000x1024xf32, #tpu.memory_space<hbm>> -> memref<100000x1024xf32, #tpu.memory_space<hbm>>
        tpu.enqueue_indirect_dma source(%dma_start3A_454 : memref<100000x1024xf32, #tpu.memory_space<hbm>>) target(%dma_start3A_449 : memref<8x1024xf32, #tpu.memory_space<vmem>>) offsets(%dma_start3A_451 : memref<8xi32, #tpu.memory_space<vmem>>) semaphore(%arg12 : memref<!tpu.dma_semaphore, #tpu.memory_space<semaphore_mem>>)
      } else {
      }
      %ge3A_341 = arith.constant 2 : i32
      %ge3A_342 = arith.cmpi sge, %scan3A_239, %ge3A_341 : i32
      %convert_element_type3A_343 = arith.extui %ge3A_342 : i1 to i32
      %cond3A_344 = arith.constant 0 : i32
      %cond3A_345 = arith.cmpi ne, %convert_element_type3A_343, %cond3A_344 : i32
      scf.if %cond3A_345 {
        %sub3A = arith.constant 2 : i32
        %sub3A_440 = arith.subi %scan3A_239, %sub3A : i32
        %add3A_441 = arith.constant 24576 : i32
        %add3A_442 = arith.addi %add3A_441, %mul3A_2 : i32
        %mul3A_443 = arith.constant 8 : i32
        %mul3A_444 = arith.muli %sub3A_440, %mul3A_443 : i32
        %add3A_445 = arith.addi %add3A_442, %mul3A_444 : i32
        %dma_wait3A_446 = arith.constant 3 : i32
        %dma_wait3A_447 = arith.constant 0 : i32
        %dma_wait3A_448 = arith.constant 0 : i32
        %dma_wait3A_449 = tpu.memref_slice %arg7[%rem3A_247, %dma_wait3A_446, %dma_wait3A_447, %dma_wait3A_448] : memref<3x4x8x1024xf32, #tpu.memory_space<vmem>> -> memref<1x1x8x1024xf32, #tpu.memory_space<vmem>>
        %dma_wait3A_450 = tpu.memref_squeeze %dma_wait3A_449 : memref<1x1x8x1024xf32, #tpu.memory_space<vmem>> -> memref<8x1024xf32, #tpu.memory_space<vmem>>
        %dma_wait3A_451 = arith.constant 0 : i32
        %dma_wait3A_452 = tpu.memref_slice %arg5[%add3A_445, %dma_wait3A_451] : memref<32768x1024xf32, #tpu.memory_space<hbm>> -> memref<8x1024xf32, #tpu.memory_space<hbm>>
        %dma_wait3A_453 = arith.constant 0 : i32
        %dma_wait3A_454 = tpu.memref_slice %arg5[%add3A_445, %dma_wait3A_453] : memref<32768x1024xf32, #tpu.memory_space<hbm>> -> memref<8x1024xf32, #tpu.memory_space<hbm>>
        %dma_wait3A_455 = arith.constant 0 : i32
        %dma_wait3A_456 = arith.constant 0 : i32
        %dma_wait3A_457 = tpu.memref_slice %arg7[%rem3A_247, %dma_wait3A_446, %dma_wait3A_455, %dma_wait3A_456] : memref<3x4x8x1024xf32, #tpu.memory_space<vmem>> -> memref<1x1x8x1024xf32, #tpu.memory_space<vmem>>
        %dma_wait3A_458 = tpu.memref_squeeze %dma_wait3A_457 : memref<1x1x8x1024xf32, #tpu.memory_space<vmem>> -> memref<8x1024xf32, #tpu.memory_space<vmem>>
        tpu.wait_dma2 semaphore(%arg17 : memref<!tpu.dma_semaphore, #tpu.memory_space<semaphore_mem>>) src(%dma_wait3A_458 : memref<8x1024xf32, #tpu.memory_space<vmem>>) dst(%dma_wait3A_454 : memref<8x1024xf32, #tpu.memory_space<hbm>>)
      } else {
      }
      %mul3A_346 = arith.constant 8 : i32
      %mul3A_347 = arith.muli %scan3A_239, %mul3A_346 : i32
      %dma_wait3A_348 = arith.constant 3 : i32
      %dma_wait3A_349 = arith.constant 3 : i32
      %dma_wait3A_350 = arith.constant 0 : i32
      %dma_wait3A_351 = arith.constant 0 : i32
      %dma_wait3A_352 = tpu.memref_slice %arg7[%rem3A_243, %dma_wait3A_349, %dma_wait3A_350, %dma_wait3A_351] : memref<3x4x8x1024xf32, #tpu.memory_space<vmem>> -> memref<1x1x8x1024xf32, #tpu.memory_space<vmem>>
      %dma_wait3A_353 = tpu.memref_squeeze %dma_wait3A_352 : memref<1x1x8x1024xf32, #tpu.memory_space<vmem>> -> memref<8x1024xf32, #tpu.memory_space<vmem>>
      %dma_wait3A_354 = tpu.memref_slice %arg6[%dma_wait3A_348, %mul3A_347] : memref<4x256xi32, #tpu.memory_space<vmem>> -> memref<1x8xi32, #tpu.memory_space<vmem>>
      %dma_wait3A_355 = tpu.memref_squeeze %dma_wait3A_354 : memref<1x8xi32, #tpu.memory_space<vmem>> -> memref<8xi32, #tpu.memory_space<vmem>>
      %dma_wait3A_356 = arith.constant 0 : i32
      %dma_wait3A_357 = arith.constant 0 : i32
      %dma_wait3A_358 = tpu.memref_slice %arg3[%dma_wait3A_356, %dma_wait3A_357] : memref<100000x1024xf32, #tpu.memory_space<hbm>> -> memref<100000x1024xf32, #tpu.memory_space<hbm>>
      tpu.wait_indirect_dma semaphore(%arg13 : memref<!tpu.dma_semaphore, #tpu.memory_space<semaphore_mem>>) src(%dma_wait3A_358 : memref<100000x1024xf32, #tpu.memory_space<hbm>>) dst(%dma_wait3A_353 : memref<8x1024xf32, #tpu.memory_space<vmem>>)
      %add3A_359 = arith.constant 1 : i32
      %add3A_360 = arith.addi %scan3A_239, %add3A_359 : i32
      %lt3A_361 = arith.constant 32 : i32
      %lt3A_362 = arith.cmpi slt, %add3A_360, %lt3A_361 : i32
      %convert_element_type3A_363 = arith.extui %lt3A_362 : i1 to i32
      %cond3A_364 = arith.constant 0 : i32
      %cond3A_365 = arith.cmpi ne, %convert_element_type3A_363, %cond3A_364 : i32
      scf.if %cond3A_365 {
        %add3A_440 = arith.constant 1 : i32
        %add3A_441 = arith.addi %scan3A_239, %add3A_440 : i32
        %mul3A_442 = arith.constant 8 : i32
        %mul3A_443 = arith.muli %add3A_441, %mul3A_442 : i32
        %dma_start3A_444 = arith.constant 3 : i32
        %dma_start3A_445 = arith.constant 3 : i32
        %dma_start3A_446 = arith.constant 0 : i32
        %dma_start3A_447 = arith.constant 0 : i32
        %dma_start3A_448 = tpu.memref_slice %arg7[%rem3A_247, %dma_start3A_445, %dma_start3A_446, %dma_start3A_447] : memref<3x4x8x1024xf32, #tpu.memory_space<vmem>> -> memref<1x1x8x1024xf32, #tpu.memory_space<vmem>>
        %dma_start3A_449 = tpu.memref_squeeze %dma_start3A_448 : memref<1x1x8x1024xf32, #tpu.memory_space<vmem>> -> memref<8x1024xf32, #tpu.memory_space<vmem>>
        %dma_start3A_450 = tpu.memref_slice %arg6[%dma_start3A_444, %mul3A_443] : memref<4x256xi32, #tpu.memory_space<vmem>> -> memref<1x8xi32, #tpu.memory_space<vmem>>
        %dma_start3A_451 = tpu.memref_squeeze %dma_start3A_450 : memref<1x8xi32, #tpu.memory_space<vmem>> -> memref<8xi32, #tpu.memory_space<vmem>>
        %dma_start3A_452 = arith.constant 0 : i32
        %dma_start3A_453 = arith.constant 0 : i32
        %dma_start3A_454 = tpu.memref_slice %arg3[%dma_start3A_452, %dma_start3A_453] : memref<100000x1024xf32, #tpu.memory_space<hbm>> -> memref<100000x1024xf32, #tpu.memory_space<hbm>>
        tpu.enqueue_indirect_dma source(%dma_start3A_454 : memref<100000x1024xf32, #tpu.memory_space<hbm>>) target(%dma_start3A_449 : memref<8x1024xf32, #tpu.memory_space<vmem>>) offsets(%dma_start3A_451 : memref<8xi32, #tpu.memory_space<vmem>>) semaphore(%arg13 : memref<!tpu.dma_semaphore, #tpu.memory_space<semaphore_mem>>)
      } else {
      }
      %parallel_loop3A = arith.constant 0 : i32
      %parallel_loop3A_366 = arith.constant 512 : i32
      %parallel_loop3A_367 = arith.constant 1 : i32
      scf.for %parallel_loop3A_440 = %parallel_loop3A to %parallel_loop3A_366 step %parallel_loop3A_367  : i32 {
        %parallel_loop3A_441 = arith.constant 6 : i32
        %parallel_loop3A_442 = arith.shrui %parallel_loop3A_440, %parallel_loop3A_441 : i32
        %parallel_loop3A_443 = arith.constant 63 : i32
        %parallel_loop3A_444 = arith.andi %parallel_loop3A_440, %parallel_loop3A_443 : i32
        %parallel_loop3A_445 = arith.constant 16 : i32
        %parallel_loop3A_446 = arith.muli %parallel_loop3A_444, %parallel_loop3A_445 : i32
        %parallel_loop3A_447 = arith.index_cast %rem3A_241 : i32 to index
        %parallel_loop3A_448 = arith.index_cast %parallel_loop3A_442 : i32 to index
        %parallel_loop3A_449 = arith.index_cast %parallel_loop3A_446 : i32 to index
        %parallel_loop3A_450 = tpu.vector_load %arg8[%parallel_loop3A_447, %parallel_loop3A_448, %parallel_loop3A_449] {strides = array<i32>} : memref<2x8x1024xf32, #tpu.memory_space<vmem>>, vector<1x1x16xf32>,
        %parallel_loop3A_451 = vector.shape_cast %parallel_loop3A_450 : vector<1x1x16xf32> to vector<16xf32>
        %parallel_loop3A_452 = arith.constant 0 : i32
        %parallel_loop3A_453 = arith.index_cast %rem3A_243 : i32 to index
        %parallel_loop3A_454 = arith.index_cast %parallel_loop3A_452 : i32 to index
        %parallel_loop3A_455 = arith.index_cast %parallel_loop3A_442 : i32 to index
        %parallel_loop3A_456 = arith.index_cast %parallel_loop3A_446 : i32 to index
        %parallel_loop3A_457 = tpu.vector_load %arg7[%parallel_loop3A_453, %parallel_loop3A_454, %parallel_loop3A_455, %parallel_loop3A_456] {strides = array<i32>} : memref<3x4x8x1024xf32, #tpu.memory_space<vmem>>, vector<1x1x1x16xf32>,
        %parallel_loop3A_458 = vector.shape_cast %parallel_loop3A_457 : vector<1x1x1x16xf32> to vector<16xf32>
        %parallel_loop3A_459 = vector.shape_cast %parallel_loop3A_451 : vector<16xf32> to vector<1x1x1x16xf32>
        tpu.vector_store %arg7[%parallel_loop3A_453, %parallel_loop3A_454, %parallel_loop3A_455, %parallel_loop3A_456], %parallel_loop3A_459 {add = true, strides = array<i32>} : memref<3x4x8x1024xf32, #tpu.memory_space<vmem>>, vector<1x1x1x16xf32>,
        %parallel_loop3A_460 = arith.constant 1 : i32
        %parallel_loop3A_461 = arith.index_cast %rem3A_243 : i32 to index
        %parallel_loop3A_462 = arith.index_cast %parallel_loop3A_460 : i32 to index
        %parallel_loop3A_463 = arith.index_cast %parallel_loop3A_442 : i32 to index
        %parallel_loop3A_464 = arith.index_cast %parallel_loop3A_446 : i32 to index
        %parallel_loop3A_465 = tpu.vector_load %arg7[%parallel_loop3A_461, %parallel_loop3A_462, %parallel_loop3A_463, %parallel_loop3A_464] {strides = array<i32>} : memref<3x4x8x1024xf32, #tpu.memory_space<vmem>>, vector<1x1x1x16xf32>,
        %parallel_loop3A_466 = vector.shape_cast %parallel_loop3A_465 : vector<1x1x1x16xf32> to vector<16xf32>
        %parallel_loop3A_467 = vector.shape_cast %parallel_loop3A_451 : vector<16xf32> to vector<1x1x1x16xf32>
        tpu.vector_store %arg7[%parallel_loop3A_461, %parallel_loop3A_462, %parallel_loop3A_463, %parallel_loop3A_464], %parallel_loop3A_467 {add = true, strides = array<i32>} : memref<3x4x8x1024xf32, #tpu.memory_space<vmem>>, vector<1x1x1x16xf32>,
        %parallel_loop3A_468 = arith.constant 2 : i32
        %parallel_loop3A_469 = arith.index_cast %rem3A_243 : i32 to index
        %parallel_loop3A_470 = arith.index_cast %parallel_loop3A_468 : i32 to index
        %parallel_loop3A_471 = arith.index_cast %parallel_loop3A_442 : i32 to index
        %parallel_loop3A_472 = arith.index_cast %parallel_loop3A_446 : i32 to index
        %parallel_loop3A_473 = tpu.vector_load %arg7[%parallel_loop3A_469, %parallel_loop3A_470, %parallel_loop3A_471, %parallel_loop3A_472] {strides = array<i32>} : memref<3x4x8x1024xf32, #tpu.memory_space<vmem>>, vector<1x1x1x16xf32>,
        %parallel_loop3A_474 = vector.shape_cast %parallel_loop3A_473 : vector<1x1x1x16xf32> to vector<16xf32>
        %parallel_loop3A_475 = vector.shape_cast %parallel_loop3A_451 : vector<16xf32> to vector<1x1x1x16xf32>
        tpu.vector_store %arg7[%parallel_loop3A_469, %parallel_loop3A_470, %parallel_loop3A_471, %parallel_loop3A_472], %parallel_loop3A_475 {add = true, strides = array<i32>} : memref<3x4x8x1024xf32, #tpu.memory_space<vmem>>, vector<1x1x1x16xf32>,
        %parallel_loop3A_476 = arith.constant 3 : i32
        %parallel_loop3A_477 = arith.index_cast %rem3A_243 : i32 to index
        %parallel_loop3A_478 = arith.index_cast %parallel_loop3A_476 : i32 to index
        %parallel_loop3A_479 = arith.index_cast %parallel_loop3A_442 : i32 to index
        %parallel_loop3A_480 = arith.index_cast %parallel_loop3A_446 : i32 to index
        %parallel_loop3A_481 = tpu.vector_load %arg7[%parallel_loop3A_477, %parallel_loop3A_478, %parallel_loop3A_479, %parallel_loop3A_480] {strides = array<i32>} : memref<3x4x8x1024xf32, #tpu.memory_space<vmem>>, vector<1x1x1x16xf32>,
        %parallel_loop3A_482 = vector.shape_cast %parallel_loop3A_481 : vector<1x1x1x16xf32> to vector<16xf32>
        %parallel_loop3A_483 = vector.shape_cast %parallel_loop3A_451 : vector<16xf32> to vector<1x1x1x16xf32>
        tpu.vector_store %arg7[%parallel_loop3A_477, %parallel_loop3A_478, %parallel_loop3A_479, %parallel_loop3A_480], %parallel_loop3A_483 {add = true, strides = array<i32>} : memref<3x4x8x1024xf32, #tpu.memory_space<vmem>>, vector<1x1x1x16xf32>,
      } {sc.loop_unroll_factor = 8 : i64, sc.parallel_access}
      %add3A_368 = arith.constant 0 : i32
      %add3A_369 = arith.addi %add3A_368, %mul3A_2 : i32
      %mul3A_370 = arith.constant 8 : i32
      %mul3A_371 = arith.muli %scan3A_239, %mul3A_370 : i32
      %add3A_372 = arith.addi %add3A_369, %mul3A_371 : i32
      %dma_start3A_373 = arith.constant 0 : i32
      %dma_start3A_374 = arith.constant 0 : i32
      %dma_start3A_375 = arith.constant 0 : i32
      %dma_start3A_376 = tpu.memref_slice %arg7[%rem3A_243, %dma_start3A_373, %dma_start3A_374, %dma_start3A_375] : memref<3x4x8x1024xf32, #tpu.memory_space<vmem>> -> memref<1x1x8x1024xf32, #tpu.memory_space<vmem>>
      %dma_start3A_377 = tpu.memref_squeeze %dma_start3A_376 : memref<1x1x8x1024xf32, #tpu.memory_space<vmem>> -> memref<8x1024xf32, #tpu.memory_space<vmem>>
      %dma_start3A_378 = arith.constant 0 : i32
      %dma_start3A_379 = tpu.memref_slice %arg5[%add3A_372, %dma_start3A_378] : memref<32768x1024xf32, #tpu.memory_space<hbm>> -> memref<8x1024xf32, #tpu.memory_space<hbm>>
      %dma_start3A_380 = arith.constant 0 : i32
      %dma_start3A_381 = tpu.memref_slice %arg5[%add3A_372, %dma_start3A_380] : memref<32768x1024xf32, #tpu.memory_space<hbm>> -> memref<8x1024xf32, #tpu.memory_space<hbm>>
      %dma_start3A_382 = arith.constant 0 : i32
      %dma_start3A_383 = arith.constant 0 : i32
      %dma_start3A_384 = tpu.memref_slice %arg7[%rem3A_243, %dma_start3A_373, %dma_start3A_382, %dma_start3A_383] : memref<3x4x8x1024xf32, #tpu.memory_space<vmem>> -> memref<1x1x8x1024xf32, #tpu.memory_space<vmem>>
      %dma_start3A_385 = tpu.memref_squeeze %dma_start3A_384 : memref<1x1x8x1024xf32, #tpu.memory_space<vmem>> -> memref<8x1024xf32, #tpu.memory_space<vmem>>
      tpu.enqueue_dma source(%dma_start3A_385 : memref<8x1024xf32, #tpu.memory_space<vmem>>) target(%dma_start3A_381 : memref<8x1024xf32, #tpu.memory_space<hbm>>) target_semaphore(%arg14 : memref<!tpu.dma_semaphore, #tpu.memory_space<semaphore_mem>>)
      %add3A_386 = arith.constant 8192 : i32
      %add3A_387 = arith.addi %add3A_386, %mul3A_2 : i32
      %mul3A_388 = arith.constant 8 : i32
      %mul3A_389 = arith.muli %scan3A_239, %mul3A_388 : i32
      %add3A_390 = arith.addi %add3A_387, %mul3A_389 : i32
      %dma_start3A_391 = arith.constant 1 : i32
      %dma_start3A_392 = arith.constant 0 : i32
      %dma_start3A_393 = arith.constant 0 : i32
      %dma_start3A_394 = tpu.memref_slice %arg7[%rem3A_243, %dma_start3A_391, %dma_start3A_392, %dma_start3A_393] : memref<3x4x8x1024xf32, #tpu.memory_space<vmem>> -> memref<1x1x8x1024xf32, #tpu.memory_space<vmem>>
      %dma_start3A_395 = tpu.memref_squeeze %dma_start3A_394 : memref<1x1x8x1024xf32, #tpu.memory_space<vmem>> -> memref<8x1024xf32, #tpu.memory_space<vmem>>
      %dma_start3A_396 = arith.constant 0 : i32
      %dma_start3A_397 = tpu.memref_slice %arg5[%add3A_390, %dma_start3A_396] : memref<32768x1024xf32, #tpu.memory_space<hbm>> -> memref<8x1024xf32, #tpu.memory_space<hbm>>
      %dma_start3A_398 = arith.constant 0 : i32
      %dma_start3A_399 = tpu.memref_slice %arg5[%add3A_390, %dma_start3A_398] : memref<32768x1024xf32, #tpu.memory_space<hbm>> -> memref<8x1024xf32, #tpu.memory_space<hbm>>
      %dma_start3A_400 = arith.constant 0 : i32
      %dma_start3A_401 = arith.constant 0 : i32
      %dma_start3A_402 = tpu.memref_slice %arg7[%rem3A_243, %dma_start3A_391, %dma_start3A_400, %dma_start3A_401] : memref<3x4x8x1024xf32, #tpu.memory_space<vmem>> -> memref<1x1x8x1024xf32, #tpu.memory_space<vmem>>
      %dma_start3A_403 = tpu.memref_squeeze %dma_start3A_402 : memref<1x1x8x1024xf32, #tpu.memory_space<vmem>> -> memref<8x1024xf32, #tpu.memory_space<vmem>>
      tpu.enqueue_dma source(%dma_start3A_403 : memref<8x1024xf32, #tpu.memory_space<vmem>>) target(%dma_start3A_399 : memref<8x1024xf32, #tpu.memory_space<hbm>>) target_semaphore(%arg15 : memref<!tpu.dma_semaphore, #tpu.memory_space<semaphore_mem>>)
      %add3A_404 = arith.constant 16384 : i32
      %add3A_405 = arith.addi %add3A_404, %mul3A_2 : i32
      %mul3A_406 = arith.constant 8 : i32
      %mul3A_407 = arith.muli %scan3A_239, %mul3A_406 : i32
      %add3A_408 = arith.addi %add3A_405, %mul3A_407 : i32
      %dma_start3A_409 = arith.constant 2 : i32
      %dma_start3A_410 = arith.constant 0 : i32
      %dma_start3A_411 = arith.constant 0 : i32
      %dma_start3A_412 = tpu.memref_slice %arg7[%rem3A_243, %dma_start3A_409, %dma_start3A_410, %dma_start3A_411] : memref<3x4x8x1024xf32, #tpu.memory_space<vmem>> -> memref<1x1x8x1024xf32, #tpu.memory_space<vmem>>
      %dma_start3A_413 = tpu.memref_squeeze %dma_start3A_412 : memref<1x1x8x1024xf32, #tpu.memory_space<vmem>> -> memref<8x1024xf32, #tpu.memory_space<vmem>>
      %dma_start3A_414 = arith.constant 0 : i32
      %dma_start3A_415 = tpu.memref_slice %arg5[%add3A_408, %dma_start3A_414] : memref<32768x1024xf32, #tpu.memory_space<hbm>> -> memref<8x1024xf32, #tpu.memory_space<hbm>>
      %dma_start3A_416 = arith.constant 0 : i32
      %dma_start3A_417 = tpu.memref_slice %arg5[%add3A_408, %dma_start3A_416] : memref<32768x1024xf32, #tpu.memory_space<hbm>> -> memref<8x1024xf32, #tpu.memory_space<hbm>>
      %dma_start3A_418 = arith.constant 0 : i32
      %dma_start3A_419 = arith.constant 0 : i32
      %dma_start3A_420 = tpu.memref_slice %arg7[%rem3A_243, %dma_start3A_409, %dma_start3A_418, %dma_start3A_419] : memref<3x4x8x1024xf32, #tpu.memory_space<vmem>> -> memref<1x1x8x1024xf32, #tpu.memory_space<vmem>>
      %dma_start3A_421 = tpu.memref_squeeze %dma_start3A_420 : memref<1x1x8x1024xf32, #tpu.memory_space<vmem>> -> memref<8x1024xf32, #tpu.memory_space<vmem>>
      tpu.enqueue_dma source(%dma_start3A_421 : memref<8x1024xf32, #tpu.memory_space<vmem>>) target(%dma_start3A_417 : memref<8x1024xf32, #tpu.memory_space<hbm>>) target_semaphore(%arg16 : memref<!tpu.dma_semaphore, #tpu.memory_space<semaphore_mem>>)
      %add3A_422 = arith.constant 24576 : i32
      %add3A_423 = arith.addi %add3A_422, %mul3A_2 : i32
      %mul3A_424 = arith.constant 8 : i32
      %mul3A_425 = arith.muli %scan3A_239, %mul3A_424 : i32
      %add3A_426 = arith.addi %add3A_423, %mul3A_425 : i32
      %dma_start3A_427 = arith.constant 3 : i32
      %dma_start3A_428 = arith.constant 0 : i32
      %dma_start3A_429 = arith.constant 0 : i32
      %dma_start3A_430 = tpu.memref_slice %arg7[%rem3A_243, %dma_start3A_427, %dma_start3A_428, %dma_start3A_429] : memref<3x4x8x1024xf32, #tpu.memory_space<vmem>> -> memref<1x1x8x1024xf32, #tpu.memory_space<vmem>>
      %dma_start3A_431 = tpu.memref_squeeze %dma_start3A_430 : memref<1x1x8x1024xf32, #tpu.memory_space<vmem>> -> memref<8x1024xf32, #tpu.memory_space<vmem>>
      %dma_start3A_432 = arith.constant 0 : i32
      %dma_start3A_433 = tpu.memref_slice %arg5[%add3A_426, %dma_start3A_432] : memref<32768x1024xf32, #tpu.memory_space<hbm>> -> memref<8x1024xf32, #tpu.memory_space<hbm>>
      %dma_start3A_434 = arith.constant 0 : i32
      %dma_start3A_435 = tpu.memref_slice %arg5[%add3A_426, %dma_start3A_434] : memref<32768x1024xf32, #tpu.memory_space<hbm>> -> memref<8x1024xf32, #tpu.memory_space<hbm>>
      %dma_start3A_436 = arith.constant 0 : i32
      %dma_start3A_437 = arith.constant 0 : i32
      %dma_start3A_438 = tpu.memref_slice %arg7[%rem3A_243, %dma_start3A_427, %dma_start3A_436, %dma_start3A_437] : memref<3x4x8x1024xf32, #tpu.memory_space<vmem>> -> memref<1x1x8x1024xf32, #tpu.memory_space<vmem>>
      %dma_start3A_439 = tpu.memref_squeeze %dma_start3A_438 : memref<1x1x8x1024xf32, #tpu.memory_space<vmem>> -> memref<8x1024xf32, #tpu.memory_space<vmem>>
      tpu.enqueue_dma source(%dma_start3A_439 : memref<8x1024xf32, #tpu.memory_space<vmem>>) target(%dma_start3A_435 : memref<8x1024xf32, #tpu.memory_space<hbm>>) target_semaphore(%arg17 : memref<!tpu.dma_semaphore, #tpu.memory_space<semaphore_mem>>)
    }
    %scan3A_80 = arith.constant 32 : i32
    %rem3A = arith.constant 30 : i32
    %rem3A_81 = arith.constant 3 : i32
    %rem3A_82 = arith.remsi %rem3A, %rem3A_81 : i32
    %add3A_83 = arith.constant 0 : i32
    %add3A_84 = arith.addi %add3A_83, %mul3A_2 : i32
    %add3A_85 = arith.constant 240 : i32
    %add3A_86 = arith.addi %add3A_84, %add3A_85 : i32
    %dma_wait3A = arith.constant 0 : i32
    %dma_wait3A_87 = arith.constant 0 : i32
    %dma_wait3A_88 = arith.constant 0 : i32
    %dma_wait3A_89 = tpu.memref_slice %arg7[%rem3A_82, %dma_wait3A, %dma_wait3A_87, %dma_wait3A_88] : memref<3x4x8x1024xf32, #tpu.memory_space<vmem>> -> memref<1x1x8x1024xf32, #tpu.memory_space<vmem>>
    %dma_wait3A_90 = tpu.memref_squeeze %dma_wait3A_89 : memref<1x1x8x1024xf32, #tpu.memory_space<vmem>> -> memref<8x1024xf32, #tpu.memory_space<vmem>>
    %dma_wait3A_91 = arith.constant 0 : i32
    %dma_wait3A_92 = tpu.memref_slice %arg5[%add3A_86, %dma_wait3A_91] : memref<32768x1024xf32, #tpu.memory_space<hbm>> -> memref<8x1024xf32, #tpu.memory_space<hbm>>
    %dma_wait3A_93 = arith.constant 0 : i32
    %dma_wait3A_94 = tpu.memref_slice %arg5[%add3A_86, %dma_wait3A_93] : memref<32768x1024xf32, #tpu.memory_space<hbm>> -> memref<8x1024xf32, #tpu.memory_space<hbm>>
    %dma_wait3A_95 = arith.constant 0 : i32
    %dma_wait3A_96 = arith.constant 0 : i32
    %dma_wait3A_97 = tpu.memref_slice %arg7[%rem3A_82, %dma_wait3A, %dma_wait3A_95, %dma_wait3A_96] : memref<3x4x8x1024xf32, #tpu.memory_space<vmem>> -> memref<1x1x8x1024xf32, #tpu.memory_space<vmem>>
    %dma_wait3A_98 = tpu.memref_squeeze %dma_wait3A_97 : memref<1x1x8x1024xf32, #tpu.memory_space<vmem>> -> memref<8x1024xf32, #tpu.memory_space<vmem>>
    tpu.wait_dma2 semaphore(%arg14 : memref<!tpu.dma_semaphore, #tpu.memory_space<semaphore_mem>>) src(%dma_wait3A_98 : memref<8x1024xf32, #tpu.memory_space<vmem>>) dst(%dma_wait3A_94 : memref<8x1024xf32, #tpu.memory_space<hbm>>)
    %rem3A_99 = arith.constant 31 : i32
    %rem3A_100 = arith.constant 3 : i32
    %rem3A_101 = arith.remsi %rem3A_99, %rem3A_100 : i32
    %add3A_102 = arith.constant 0 : i32
    %add3A_103 = arith.addi %add3A_102, %mul3A_2 : i32
    %add3A_104 = arith.constant 248 : i32
    %add3A_105 = arith.addi %add3A_103, %add3A_104 : i32
    %dma_wait3A_106 = arith.constant 0 : i32
    %dma_wait3A_107 = arith.constant 0 : i32
    %dma_wait3A_108 = arith.constant 0 : i32
    %dma_wait3A_109 = tpu.memref_slice %arg7[%rem3A_101, %dma_wait3A_106, %dma_wait3A_107, %dma_wait3A_108] : memref<3x4x8x1024xf32, #tpu.memory_space<vmem>> -> memref<1x1x8x1024xf32, #tpu.memory_space<vmem>>
    %dma_wait3A_110 = tpu.memref_squeeze %dma_wait3A_109 : memref<1x1x8x1024xf32, #tpu.memory_space<vmem>> -> memref<8x1024xf32, #tpu.memory_space<vmem>>
    %dma_wait3A_111 = arith.constant 0 : i32
    %dma_wait3A_112 = tpu.memref_slice %arg5[%add3A_105, %dma_wait3A_111] : memref<32768x1024xf32, #tpu.memory_space<hbm>> -> memref<8x1024xf32, #tpu.memory_space<hbm>>
    %dma_wait3A_113 = arith.constant 0 : i32
    %dma_wait3A_114 = tpu.memref_slice %arg5[%add3A_105, %dma_wait3A_113] : memref<32768x1024xf32, #tpu.memory_space<hbm>> -> memref<8x1024xf32, #tpu.memory_space<hbm>>
    %dma_wait3A_115 = arith.constant 0 : i32
    %dma_wait3A_116 = arith.constant 0 : i32
    %dma_wait3A_117 = tpu.memref_slice %arg7[%rem3A_101, %dma_wait3A_106, %dma_wait3A_115, %dma_wait3A_116] : memref<3x4x8x1024xf32, #tpu.memory_space<vmem>> -> memref<1x1x8x1024xf32, #tpu.memory_space<vmem>>
    %dma_wait3A_118 = tpu.memref_squeeze %dma_wait3A_117 : memref<1x1x8x1024xf32, #tpu.memory_space<vmem>> -> memref<8x1024xf32, #tpu.memory_space<vmem>>
    tpu.wait_dma2 semaphore(%arg14 : memref<!tpu.dma_semaphore, #tpu.memory_space<semaphore_mem>>) src(%dma_wait3A_118 : memref<8x1024xf32, #tpu.memory_space<vmem>>) dst(%dma_wait3A_114 : memref<8x1024xf32, #tpu.memory_space<hbm>>)
    %rem3A_119 = arith.constant 30 : i32
    %rem3A_120 = arith.constant 3 : i32
    %rem3A_121 = arith.remsi %rem3A_119, %rem3A_120 : i32
    %add3A_122 = arith.constant 8192 : i32
    %add3A_123 = arith.addi %add3A_122, %mul3A_2 : i32
    %add3A_124 = arith.constant 240 : i32
    %add3A_125 = arith.addi %add3A_123, %add3A_124 : i32
    %dma_wait3A_126 = arith.constant 1 : i32
    %dma_wait3A_127 = arith.constant 0 : i32
    %dma_wait3A_128 = arith.constant 0 : i32
    %dma_wait3A_129 = tpu.memref_slice %arg7[%rem3A_121, %dma_wait3A_126, %dma_wait3A_127, %dma_wait3A_128] : memref<3x4x8x1024xf32, #tpu.memory_space<vmem>> -> memref<1x1x8x1024xf32, #tpu.memory_space<vmem>>
    %dma_wait3A_130 = tpu.memref_squeeze %dma_wait3A_129 : memref<1x1x8x1024xf32, #tpu.memory_space<vmem>> -> memref<8x1024xf32, #tpu.memory_space<vmem>>
    %dma_wait3A_131 = arith.constant 0 : i32
    %dma_wait3A_132 = tpu.memref_slice %arg5[%add3A_125, %dma_wait3A_131] : memref<32768x1024xf32, #tpu.memory_space<hbm>> -> memref<8x1024xf32, #tpu.memory_space<hbm>>
    %dma_wait3A_133 = arith.constant 0 : i32
    %dma_wait3A_134 = tpu.memref_slice %arg5[%add3A_125, %dma_wait3A_133] : memref<32768x1024xf32, #tpu.memory_space<hbm>> -> memref<8x1024xf32, #tpu.memory_space<hbm>>
    %dma_wait3A_135 = arith.constant 0 : i32
    %dma_wait3A_136 = arith.constant 0 : i32
    %dma_wait3A_137 = tpu.memref_slice %arg7[%rem3A_121, %dma_wait3A_126, %dma_wait3A_135, %dma_wait3A_136] : memref<3x4x8x1024xf32, #tpu.memory_space<vmem>> -> memref<1x1x8x1024xf32, #tpu.memory_space<vmem>>
    %dma_wait3A_138 = tpu.memref_squeeze %dma_wait3A_137 : memref<1x1x8x1024xf32, #tpu.memory_space<vmem>> -> memref<8x1024xf32, #tpu.memory_space<vmem>>
    tpu.wait_dma2 semaphore(%arg15 : memref<!tpu.dma_semaphore, #tpu.memory_space<semaphore_mem>>) src(%dma_wait3A_138 : memref<8x1024xf32, #tpu.memory_space<vmem>>) dst(%dma_wait3A_134 : memref<8x1024xf32, #tpu.memory_space<hbm>>)
    %rem3A_139 = arith.constant 31 : i32
    %rem3A_140 = arith.constant 3 : i32
    %rem3A_141 = arith.remsi %rem3A_139, %rem3A_140 : i32
    %add3A_142 = arith.constant 8192 : i32
    %add3A_143 = arith.addi %add3A_142, %mul3A_2 : i32
    %add3A_144 = arith.constant 248 : i32
    %add3A_145 = arith.addi %add3A_143, %add3A_144 : i32
    %dma_wait3A_146 = arith.constant 1 : i32
    %dma_wait3A_147 = arith.constant 0 : i32
    %dma_wait3A_148 = arith.constant 0 : i32
    %dma_wait3A_149 = tpu.memref_slice %arg7[%rem3A_141, %dma_wait3A_146, %dma_wait3A_147, %dma_wait3A_148] : memref<3x4x8x1024xf32, #tpu.memory_space<vmem>> -> memref<1x1x8x1024xf32, #tpu.memory_space<vmem>>
    %dma_wait3A_150 = tpu.memref_squeeze %dma_wait3A_149 : memref<1x1x8x1024xf32, #tpu.memory_space<vmem>> -> memref<8x1024xf32, #tpu.memory_space<vmem>>
    %dma_wait3A_151 = arith.constant 0 : i32
    %dma_wait3A_152 = tpu.memref_slice %arg5[%add3A_145, %dma_wait3A_151] : memref<32768x1024xf32, #tpu.memory_space<hbm>> -> memref<8x1024xf32, #tpu.memory_space<hbm>>
    %dma_wait3A_153 = arith.constant 0 : i32
    %dma_wait3A_154 = tpu.memref_slice %arg5[%add3A_145, %dma_wait3A_153] : memref<32768x1024xf32, #tpu.memory_space<hbm>> -> memref<8x1024xf32, #tpu.memory_space<hbm>>
    %dma_wait3A_155 = arith.constant 0 : i32
    %dma_wait3A_156 = arith.constant 0 : i32
    %dma_wait3A_157 = tpu.memref_slice %arg7[%rem3A_141, %dma_wait3A_146, %dma_wait3A_155, %dma_wait3A_156] : memref<3x4x8x1024xf32, #tpu.memory_space<vmem>> -> memref<1x1x8x1024xf32, #tpu.memory_space<vmem>>
    %dma_wait3A_158 = tpu.memref_squeeze %dma_wait3A_157 : memref<1x1x8x1024xf32, #tpu.memory_space<vmem>> -> memref<8x1024xf32, #tpu.memory_space<vmem>>
    tpu.wait_dma2 semaphore(%arg15 : memref<!tpu.dma_semaphore, #tpu.memory_space<semaphore_mem>>) src(%dma_wait3A_158 : memref<8x1024xf32, #tpu.memory_space<vmem>>) dst(%dma_wait3A_154 : memref<8x1024xf32, #tpu.memory_space<hbm>>)
    %rem3A_159 = arith.constant 30 : i32
    %rem3A_160 = arith.constant 3 : i32
    %rem3A_161 = arith.remsi %rem3A_159, %rem3A_160 : i32
    %add3A_162 = arith.constant 16384 : i32
    %add3A_163 = arith.addi %add3A_162, %mul3A_2 : i32
    %add3A_164 = arith.constant 240 : i32
    %add3A_165 = arith.addi %add3A_163, %add3A_164 : i32
    %dma_wait3A_166 = arith.constant 2 : i32
    %dma_wait3A_167 = arith.constant 0 : i32
    %dma_wait3A_168 = arith.constant 0 : i32
    %dma_wait3A_169 = tpu.memref_slice %arg7[%rem3A_161, %dma_wait3A_166, %dma_wait3A_167, %dma_wait3A_168] : memref<3x4x8x1024xf32, #tpu.memory_space<vmem>> -> memref<1x1x8x1024xf32, #tpu.memory_space<vmem>>
    %dma_wait3A_170 = tpu.memref_squeeze %dma_wait3A_169 : memref<1x1x8x1024xf32, #tpu.memory_space<vmem>> -> memref<8x1024xf32, #tpu.memory_space<vmem>>
    %dma_wait3A_171 = arith.constant 0 : i32
    %dma_wait3A_172 = tpu.memref_slice %arg5[%add3A_165, %dma_wait3A_171] : memref<32768x1024xf32, #tpu.memory_space<hbm>> -> memref<8x1024xf32, #tpu.memory_space<hbm>>
    %dma_wait3A_173 = arith.constant 0 : i32
    %dma_wait3A_174 = tpu.memref_slice %arg5[%add3A_165, %dma_wait3A_173] : memref<32768x1024xf32, #tpu.memory_space<hbm>> -> memref<8x1024xf32, #tpu.memory_space<hbm>>
    %dma_wait3A_175 = arith.constant 0 : i32
    %dma_wait3A_176 = arith.constant 0 : i32
    %dma_wait3A_177 = tpu.memref_slice %arg7[%rem3A_161, %dma_wait3A_166, %dma_wait3A_175, %dma_wait3A_176] : memref<3x4x8x1024xf32, #tpu.memory_space<vmem>> -> memref<1x1x8x1024xf32, #tpu.memory_space<vmem>>
    %dma_wait3A_178 = tpu.memref_squeeze %dma_wait3A_177 : memref<1x1x8x1024xf32, #tpu.memory_space<vmem>> -> memref<8x1024xf32, #tpu.memory_space<vmem>>
    tpu.wait_dma2 semaphore(%arg16 : memref<!tpu.dma_semaphore, #tpu.memory_space<semaphore_mem>>) src(%dma_wait3A_178 : memref<8x1024xf32, #tpu.memory_space<vmem>>) dst(%dma_wait3A_174 : memref<8x1024xf32, #tpu.memory_space<hbm>>)
    %rem3A_179 = arith.constant 31 : i32
    %rem3A_180 = arith.constant 3 : i32
    %rem3A_181 = arith.remsi %rem3A_179, %rem3A_180 : i32
    %add3A_182 = arith.constant 16384 : i32
    %add3A_183 = arith.addi %add3A_182, %mul3A_2 : i32
    %add3A_184 = arith.constant 248 : i32
    %add3A_185 = arith.addi %add3A_183, %add3A_184 : i32
    %dma_wait3A_186 = arith.constant 2 : i32
    %dma_wait3A_187 = arith.constant 0 : i32
    %dma_wait3A_188 = arith.constant 0 : i32
    %dma_wait3A_189 = tpu.memref_slice %arg7[%rem3A_181, %dma_wait3A_186, %dma_wait3A_187, %dma_wait3A_188] : memref<3x4x8x1024xf32, #tpu.memory_space<vmem>> -> memref<1x1x8x1024xf32, #tpu.memory_space<vmem>>
    %dma_wait3A_190 = tpu.memref_squeeze %dma_wait3A_189 : memref<1x1x8x1024xf32, #tpu.memory_space<vmem>> -> memref<8x1024xf32, #tpu.memory_space<vmem>>
    %dma_wait3A_191 = arith.constant 0 : i32
    %dma_wait3A_192 = tpu.memref_slice %arg5[%add3A_185, %dma_wait3A_191] : memref<32768x1024xf32, #tpu.memory_space<hbm>> -> memref<8x1024xf32, #tpu.memory_space<hbm>>
    %dma_wait3A_193 = arith.constant 0 : i32
    %dma_wait3A_194 = tpu.memref_slice %arg5[%add3A_185, %dma_wait3A_193] : memref<32768x1024xf32, #tpu.memory_space<hbm>> -> memref<8x1024xf32, #tpu.memory_space<hbm>>
    %dma_wait3A_195 = arith.constant 0 : i32
    %dma_wait3A_196 = arith.constant 0 : i32
    %dma_wait3A_197 = tpu.memref_slice %arg7[%rem3A_181, %dma_wait3A_186, %dma_wait3A_195, %dma_wait3A_196] : memref<3x4x8x1024xf32, #tpu.memory_space<vmem>> -> memref<1x1x8x1024xf32, #tpu.memory_space<vmem>>
    %dma_wait3A_198 = tpu.memref_squeeze %dma_wait3A_197 : memref<1x1x8x1024xf32, #tpu.memory_space<vmem>> -> memref<8x1024xf32, #tpu.memory_space<vmem>>
    tpu.wait_dma2 semaphore(%arg16 : memref<!tpu.dma_semaphore, #tpu.memory_space<semaphore_mem>>) src(%dma_wait3A_198 : memref<8x1024xf32, #tpu.memory_space<vmem>>) dst(%dma_wait3A_194 : memref<8x1024xf32, #tpu.memory_space<hbm>>)
    %rem3A_199 = arith.constant 30 : i32
    %rem3A_200 = arith.constant 3 : i32
    %rem3A_201 = arith.remsi %rem3A_199, %rem3A_200 : i32
    %add3A_202 = arith.constant 24576 : i32
    %add3A_203 = arith.addi %add3A_202, %mul3A_2 : i32
    %add3A_204 = arith.constant 240 : i32
    %add3A_205 = arith.addi %add3A_203, %add3A_204 : i32
    %dma_wait3A_206 = arith.constant 3 : i32
    %dma_wait3A_207 = arith.constant 0 : i32
    %dma_wait3A_208 = arith.constant 0 : i32
    %dma_wait3A_209 = tpu.memref_slice %arg7[%rem3A_201, %dma_wait3A_206, %dma_wait3A_207, %dma_wait3A_208] : memref<3x4x8x1024xf32, #tpu.memory_space<vmem>> -> memref<1x1x8x1024xf32, #tpu.memory_space<vmem>>
    %dma_wait3A_210 = tpu.memref_squeeze %dma_wait3A_209 : memref<1x1x8x1024xf32, #tpu.memory_space<vmem>> -> memref<8x1024xf32, #tpu.memory_space<vmem>>
    %dma_wait3A_211 = arith.constant 0 : i32
    %dma_wait3A_212 = tpu.memref_slice %arg5[%add3A_205, %dma_wait3A_211] : memref<32768x1024xf32, #tpu.memory_space<hbm>> -> memref<8x1024xf32, #tpu.memory_space<hbm>>
    %dma_wait3A_213 = arith.constant 0 : i32
    %dma_wait3A_214 = tpu.memref_slice %arg5[%add3A_205, %dma_wait3A_213] : memref<32768x1024xf32, #tpu.memory_space<hbm>> -> memref<8x1024xf32, #tpu.memory_space<hbm>>
    %dma_wait3A_215 = arith.constant 0 : i32
    %dma_wait3A_216 = arith.constant 0 : i32
    %dma_wait3A_217 = tpu.memref_slice %arg7[%rem3A_201, %dma_wait3A_206, %dma_wait3A_215, %dma_wait3A_216] : memref<3x4x8x1024xf32, #tpu.memory_space<vmem>> -> memref<1x1x8x1024xf32, #tpu.memory_space<vmem>>
    %dma_wait3A_218 = tpu.memref_squeeze %dma_wait3A_217 : memref<1x1x8x1024xf32, #tpu.memory_space<vmem>> -> memref<8x1024xf32, #tpu.memory_space<vmem>>
    tpu.wait_dma2 semaphore(%arg17 : memref<!tpu.dma_semaphore, #tpu.memory_space<semaphore_mem>>) src(%dma_wait3A_218 : memref<8x1024xf32, #tpu.memory_space<vmem>>) dst(%dma_wait3A_214 : memref<8x1024xf32, #tpu.memory_space<hbm>>)
    %rem3A_219 = arith.constant 31 : i32
    %rem3A_220 = arith.constant 3 : i32
    %rem3A_221 = arith.remsi %rem3A_219, %rem3A_220 : i32
    %add3A_222 = arith.constant 24576 : i32
    %add3A_223 = arith.addi %add3A_222, %mul3A_2 : i32
    %add3A_224 = arith.constant 248 : i32
    %add3A_225 = arith.addi %add3A_223, %add3A_224 : i32
    %dma_wait3A_226 = arith.constant 3 : i32
    %dma_wait3A_227 = arith.constant 0 : i32
    %dma_wait3A_228 = arith.constant 0 : i32
    %dma_wait3A_229 = tpu.memref_slice %arg7[%rem3A_221, %dma_wait3A_226, %dma_wait3A_227, %dma_wait3A_228] : memref<3x4x8x1024xf32, #tpu.memory_space<vmem>> -> memref<1x1x8x1024xf32, #tpu.memory_space<vmem>>
    %dma_wait3A_230 = tpu.memref_squeeze %dma_wait3A_229 : memref<1x1x8x1024xf32, #tpu.memory_space<vmem>> -> memref<8x1024xf32, #tpu.memory_space<vmem>>
    %dma_wait3A_231 = arith.constant 0 : i32
    %dma_wait3A_232 = tpu.memref_slice %arg5[%add3A_225, %dma_wait3A_231] : memref<32768x1024xf32, #tpu.memory_space<hbm>> -> memref<8x1024xf32, #tpu.memory_space<hbm>>
    %dma_wait3A_233 = arith.constant 0 : i32
    %dma_wait3A_234 = tpu.memref_slice %arg5[%add3A_225, %dma_wait3A_233] : memref<32768x1024xf32, #tpu.memory_space<hbm>> -> memref<8x1024xf32, #tpu.memory_space<hbm>>
    %dma_wait3A_235 = arith.constant 0 : i32
    %dma_wait3A_236 = arith.constant 0 : i32
    %dma_wait3A_237 = tpu.memref_slice %arg7[%rem3A_221, %dma_wait3A_226, %dma_wait3A_235, %dma_wait3A_236] : memref<3x4x8x1024xf32, #tpu.memory_space<vmem>> -> memref<1x1x8x1024xf32, #tpu.memory_space<vmem>>
    %dma_wait3A_238 = tpu.memref_squeeze %dma_wait3A_237 : memref<1x1x8x1024xf32, #tpu.memory_space<vmem>> -> memref<8x1024xf32, #tpu.memory_space<vmem>>
    tpu.wait_dma2 semaphore(%arg17 : memref<!tpu.dma_semaphore, #tpu.memory_space<semaphore_mem>>) src(%dma_wait3A_238 : memref<8x1024xf32, #tpu.memory_space<vmem>>) dst(%dma_wait3A_234 : memref<8x1024xf32, #tpu.memory_space<hbm>>)
    return
  }
}

</mosaic_0001>

<sc_bundles>
// kernel: kernel.3.cloned.1.call-start
scs
__scs_entry_jumppad:
0x0: {  	(pc) =	sbr.rel $0x88, $3  }
0x1: {  	(tag) =	ssettag $0x0;
	lr =	simm.s32 $0x1  }
0x2: {  	[smem:$0x3F9E] =	sst lr;
	_ =	strace $0xD0000000  }
0x3: {  	_ = 	snop  }
0x4: {  	_ = 	snop  }
0x5: {  	_ = 	snop  }
0x6: {  	_ = 	snop  }
0x7: {  	_ = 	snop  }
__scs_overlays_trampoline_lowered:
0x8: {  	[smem:$0x3FAD] =	sst s0  }
0x9: {  	[smem:$0x3FAE] =	sst s1  }
0xa: {  	[smem:$0x3FAF] =	sst s2  }
0xb: {  	[smem:$0x3FB0] =	sst s3  }
0xc: {  	[smem:$0x3FB1] =	sst s4  }
0xd: {  	[smem:$0x3FB2] =	sst s5  }
0xe: {  	[smem:$0x3FB3] =	sst s6  }
0xf: {  	[smem:$0x3FB4] =	sst s7  }
0x10: {  	[smem:$0x3FB5] =	sst s8  }
0x11: {  	[smem:$0x3FB6] =	sst s9;
	s0 =	simm.s32 @!p0 $0x0  }
0x12: {  	s1 =	sld [smem:$0x3F9C];
	s0 =	simm.s32 @p0 $0x1  }
0x13: {  	[smem:$0x3FB7] =	sst s0;
	s0 =	simm.s32 @!p1 $0x0  }
0x14: {  	s2 =	sld [smem:$0x3F9B];
	s0 =	simm.s32 @p1 $0x1  }
0x15: {  	[smem:$0x3FB8] =	sst s0;
	s0 =	simm.s32 @!p2 $0x0  }
0x16: {  	s3 =	sld [smem:$0x3FDB];
	s0 =	simm.s32 @p2 $0x1  }
0x17: {  	s4 =	simm.s32 $0x1BF5;
	[smem:$0x3FBA] =	sst s0  }
0x18: {  	s0 =	sld [smem:$0x3F9D];
	_ =	swait.ge [sflag:s4], $0x0  }
0x19: {  	s7 =	sld [smem:$0x3F9E]  }
0x1a: {  	s8 =	sadd.s32 $0xFFFFE003, lr  }
0x1b: {  	s9 =	sadd.s32 $0xFFFFFEF7, lr;
	s5 =	simm.s32 $0xFFFFFFFF;
	p2 =	slt.u32 s8, $0xFFFFF086  }
0x1c: {  	p1 =	slt.u32 s9, $0xF7A;
	s5 =	simm.s32 @!p2 $0x0  }
0x1d: {  	s5 =	simm.s32 @p1 $0x1;
	p0 =	seq.s32 s7, s2  }
0x1e: {  	s7 =	smul.u32 @!p0 $0xF7A, s2;
	p2 =	seq.s32 @!p0 s5, $0x0  }
0x1f: {  	s9 =	smul.u32 $0xF7A, s1;
	s8 =	simm.s32 @!p0 $0x1BF5;
	p2 =	por !p2, p0  }
0x20: {  	[sflag:s8] =	ssyncset.s32 @!p0 $0xFFFFF086;
	s6 =	sadd.s32 @!p0 s3, s7;
	s7 =	simm.s32 @!p0 $0x108  }
0x21: {  	s3 =	sadd.s32 s3, s9;
	s6 =	sadd.s32 @!p0 $0x88, s6;
	s7 =	simm.s32 @p2 $0x1082  }
0x22: {  	[simem:s7], [sflag:s8] =	dma.local @!p0 [hbm:s6], $0xF7A  }
0x23: {  	s9 =	sor.u32 $0xD0000000, s2;
	s6 =	simm.s32 $0x108;
	_ =	swait.ge @!p0 [sflag:s8], $0x0  }
0x24: {  	s3 =	sadd.s32 $0x88, s3;
	s6 =	simm.s32 @!p1 $0x1082;
	[sflag:s4] =	ssyncset.s32 $0xFFFFF086  }
0x25: {  	[simem:s6], [sflag:s4] =	dma.local [hbm:s3], $0xF7A  }
0x26: {  	[smem:$0x3F9E] =	sst s1;
	(tag) =	ssettag s2;
	_ =	strace s9  }
0x27: {  	s1 =	sld [smem:$0x3FAE]  }
0x28: {  	s2 =	sld [smem:$0x3FAF]  }
0x29: {  	s4 =	sld [smem:$0x3FB1]  }
0x2a: {  	p0 =	seq.s32 s5, $0x0;
	s5 =	sld [smem:$0x3FB2]  }
0x2b: {  	s6 =	sld [smem:$0x3FB3]  }
0x2c: {  	s7 =	sld [smem:$0x3FB4]  }
0x2d: {  	s3 =	simm.s32 $0x108;
	s8 =	sld [smem:$0x3FB5]  }
0x2e: {  	s3 =	simm.s32 @!p0 $0x1082;
	s9 =	sld [smem:$0x3FB6]  }
0x2f: {  	lr =	sadd.s32 s0, s3;
	s0 =	sld [smem:$0x3FAD]  }
0x30: {  	s3 =	sld [smem:$0x3FB0]  }
0x31: {  	[smem:$0x3FB9] =	sst s10  }
0x32: {  	s10 =	sld [smem:$0x3FB7];
	_ =	sdelay $0x3  }
0x33: {  	p0 =	seq.s32 s10, $0x1;
	s10 =	sld [smem:$0x3FB9];
	_ =	sdelay $0x3  }
0x34: {  	[smem:$0x3FB9] =	sst s10  }
0x35: {  	s10 =	sld [smem:$0x3FB8];
	_ =	sdelay $0x3  }
0x36: {  	p1 =	seq.s32 s10, $0x1;
	s10 =	sld [smem:$0x3FB9];
	_ =	sdelay $0x3  }
0x37: {  	[smem:$0x3FB9] =	sst s10  }
0x38: {  	s10 =	sld [smem:$0x3FBA]  }
0x39: {  	_ = 	snop;
	(pc) =	sbr.ind lr, $3  }
0x3a: {  	_ = 	snop  }
0x3b: {  	_ = 	snop  }
0x3c: {  	p2 =	seq.s32 s10, $0x1;
	s10 =	sld [smem:$0x3FB9]  }
0x3d: {  	_ =	shalt  }
0x3e: {  	_ =	shalt  }
0x3f: {  	_ =	shalt  }
0x40: {  	_ =	shalt  }
0x41: {  	_ =	shalt  }
0x42: {  	_ =	shalt  }
0x43: {  	_ =	shalt  }
0x44: {  	_ =	shalt  }
0x45: {  	_ =	shalt  }
0x46: {  	_ =	shalt  }
0x47: {  	_ =	shalt  }
0x48: {  	_ =	shalt  }
0x49: {  	_ =	shalt  }
0x4a: {  	_ =	shalt  }
0x4b: {  	_ =	shalt  }
0x4c: {  	_ =	shalt  }
0x4d: {  	_ =	shalt  }
0x4e: {  	_ =	shalt  }
0x4f: {  	_ =	shalt  }
0x50: {  	_ =	shalt  }
0x51: {  	_ =	shalt  }
0x52: {  	_ =	shalt  }
0x53: {  	_ =	shalt  }
0x54: {  	_ =	shalt  }
0x55: {  	_ =	shalt  }
0x56: {  	_ =	shalt  }
0x57: {  	_ =	shalt  }
0x58: {  	_ =	shalt  }
0x59: {  	_ =	shalt  }
0x5a: {  	_ =	shalt  }
0x5b: {  	_ =	shalt  }
0x5c: {  	_ =	shalt  }
0x5d: {  	_ =	shalt  }
0x5e: {  	_ =	shalt  }
0x5f: {  	_ =	shalt  }
0x60: {  	_ =	shalt  }
0x61: {  	_ =	shalt  }
0x62: {  	_ =	shalt  }
0x63: {  	_ =	shalt  }
0x64: {  	_ =	shalt  }
0x65: {  	_ =	shalt  }
0x66: {  	_ =	shalt  }
0x67: {  	_ =	shalt  }
0x68: {  	_ =	shalt  }
0x69: {  	_ =	shalt  }
0x6a: {  	_ =	shalt  }
0x6b: {  	_ =	shalt  }
0x6c: {  	_ =	shalt  }
0x6d: {  	_ =	shalt  }
0x6e: {  	_ =	shalt  }
0x6f: {  	_ =	shalt  }
0x70: {  	_ =	shalt  }
0x71: {  	_ =	shalt  }
0x72: {  	_ =	shalt  }
0x73: {  	_ =	shalt  }
0x74: {  	_ =	shalt  }
0x75: {  	_ =	shalt  }
0x76: {  	_ =	shalt  }
0x77: {  	_ =	shalt  }
0x78: {  	_ =	shalt  }
0x79: {  	_ =	shalt  }
0x7a: {  	_ =	shalt  }
0x7b: {  	_ =	shalt  }
0x7c: {  	_ =	shalt  }
0x7d: {  	_ =	shalt  }
0x7e: {  	_ =	shalt  }
0x7f: {  	_ =	shalt  }
0x80: {  	_ =	shalt  }
0x81: {  	_ =	shalt  }
0x82: {  	_ =	shalt  }
0x83: {  	_ =	shalt  }
0x84: {  	_ =	shalt  }
0x85: {  	_ =	shalt  }
0x86: {  	_ =	shalt  }
0x87: {  	_ =	shalt  }
.Lfunc_end0:
.L_simem_size_0:
called_computation_lowered:
.L_overlay_start_0:
0x88: {  	s2 =	sld [smem:$0x3FD9]  }
0x89: {  	s3 =	sld [smem:$0x3FFE];
	_ =	sdelay $0x1  }
0x8a: {  	s1 =	srdreg.scid  }
0x8b: {  	s0 =	sand.u32 $0x1, s1  }
0x8c: {  	s18 =	sshll.u32 s0, $0xA;
	s2 =	sadd.s32 s3, s2  }
0x8d: {  	s2 =	sadd.s32 s2, s18  }
0x8e: {  	[smem:$0x3FC5] =	sst s2  }
0x8f: {  	_ = 	snop  }
0x90: {  	s2 =	sld [smem:$0x3FC9]  }
0x91: {  	s19 =	sld [smem:$0x3FC8]  }
0x92: {  	s4 =	sld [smem:$0x3FC7]  }
0x93: {  	s5 =	sld [smem:$0x3FD0];
	(tm) =	ssettm $0x1  }
0x94: {  	s6 =	sld [smem:$0x3FFB];
	_ =	sdelay $0x3  }
0x95: {  	_ =	strace s6  }
0x96: {  	s6 =	sld [smem:$0x3FFC];
	_ =	sdelay $0x3  }
0x97: {  	_ =	strace s6  }
0x98: {  	s6 =	sld [smem:$0x3FFD];
	_ =	sdelay $0x3  }
0x99: {  	_ =	strace s6  }
0x9a: {  	_ =	strace $0x8FFFFFFF  }
0x9b: {  	s20 =	sld [smem:$0x3FDB];
	_ =	sdelay $0x1  }
0x9c: {  	s7 =	simm.s32 $_scs_section_size  }
0x9d: {  	s8 =	simm.s32 $_size__tile_overlayer_lowered;
	s9 =	simm.s32 $_tile_overlayer_lowered  }
0x9e: {  	s23 =	simm.s32 $0x1BFF;
	s22 =	sshll.u32 s9, $0x1;
	s6 =	sadd.s32 s7, s20  }
0x9f: {  	s10 =	simm.s32 $0x0;
	s21 =	sshll.u32 s8, $0x1;
	s8 =	sadd.s32 s22, s6  }
0xa0: {  	[timem:s10], [sflag:s23] =	dma.local [hbm:s8], s21  }
0xa1: {  	_ =	swait.ge [sflag:s23], s21  }
0xa2: {  	s7 =	ssub.s32 $0x0, s21;
	[sflag:s23] =	ssyncset.done $0x0  }
0xa3: {  	[sflag:s23] =	ssyncadd.s32 s7;
	_ =	sdelay $0x1  }
0xa4: {  	s24 =	simm.s32 $0x1B8B  }
0xa5: {  	_ =	swait.ge [sflag:s24], $0x1  }
0xa6: {  	[sflag:s24] =	ssyncset.done $0x0  }
0xa7: {  	s25 =	simm.s32 $0x1B8E;
	[sflag:s24] =	ssyncadd.s32 $0xFFFFFFFF  }
0xa8: {  	s26 =	simm.s32 $execute0_lowered;
	[smem:$0x3FD2] =	sst s25  }
0xa9: {  	s7 =	sshll.u32 s26, $0x1;
	_ =	strace $0x80000046;
	[dreg:$0x1] =	wrdreg $0xFFFFFFFF  }
0xaa: {  	s28 =	simm.s32 $_size_execute0_lowered;
	s6 =	sadd.s32 s6, s7;
	[dreg:$0x0] =	wrdreg $0x0  }
0xab: {  	s7 =	sshll.u32 s28, $0x1;
	[dreg:$0x2] =	wrdreg s6  }
0xac: {  	[dreg:$0x3] =	wrdreg s7  }
0xad: {  	[dreg:$0x4] =	wrdreg $0xC0  }
0xae: {  	_ =	task [dreg:s10], $0x5FFFF  }
0xaf: {  	[dreg:$0x1] =	wrdreg $0xFFFFFFFF  }
0xb0: {  	[dreg:$0x0] =	wrdreg $0x60  }
0xb1: {  	[dreg:$0x2] =	wrdreg s2  }
0xb2: {  	[dreg:$0x3] =	wrdreg s19  }
0xb3: {  	[dreg:$0x4] =	wrdreg s4  }
0xb4: {  	[dreg:$0x5] =	wrdreg s5  }
0xb5: {  	[dreg:$0x6] =	wrdreg $0x9  }
0xb6: {  	_ =	task.clear_ibuf [dreg:s10], $0x7FFFF;
	_ =	strace $0x90000046  }
0xb7: {  	s29 =	simm.s32 $0x9;
	_ =	strace $0x80000048  }
0xb8: {  	_ =	swait.ge [sflag:s29], $0x1  }
0xb9: {  	[sflag:s29] =	ssyncadd.s32 $0xFFFFFFFF  }
0xba: {  	_ =	strace $0x90000048  }
0xbb: {  	_ =	sfence  }
0xbc: {  	s30 =	sld [smem:$0x0];
	_ =	sdelay $0x2  }
0xbd: {  	s31 =	sshll.u32 s1, $0xD;
	s1 =	sshrl.u32 s1, $0x2  }
0xbe: {  	s3 =	sand.u32 $0x4000, s31;
	s1 =	sadd.s32 s1, s30  }
0xbf: {  	s0 =	sor.u32 s3, s0;
	s1 =	sshll.u32 s1, $0x11  }
0xc0: {  	s0 =	sor.u32 s1, s0  }
0xc1: {  	s0 =	sadd.s32 $0x8F2B, s0  }
0xc2: {  	[sflag:s0] =	ssyncadd.remote.s32 $0x1  }
0xc3: {  	_ =	sfence.sel $0xFFFF  }
0xc4: {  	[dreg:$0x0] =	wrdreg $0xFFFFFFFF;
	(pc) =	sbr.abs _section_cstart, $3  }
0xc5: {  	[dreg:$0x1] =	wrdreg $0xFFFFFFFF  }
0xc6: {  	_ =	task.clear_ibuf [dreg:s10], $0x2FFFF;
	_ =	strace $0x9FFFFFFF  }
0xc7: {  	(tm) =	ssettm $0x7FFFFFFF  }
tec
execute0_lowered:
.L_overlay_start_1:
0x0: {  	(tag) =	ssettag $0x1  }
0x1: {  	s0 =	rddreg [dreg:$0x0]  }
0x2: {  	s2 =	rddreg [dreg:$0x1]  }
0x3: {  	s4 =	rddreg [dreg:$0x2];
	s1 =	srdreg.scid  }
0x4: {  	s8 =	rddreg [dreg:$0x3];
	s3 =	stileid.u32  }
0x5: {  	s5 =	simm.s32 $0x0;
	s31 =	simm.s32 $0x1;
	s21 =	simm.s32 $0x3  }
0x6: {  	s23 =	simm.s32 $0x4;
	s1 =	sand.u32 $0x1, s1;
	s3 =	sshll.u32 s3, $0x9  }
0x7: {  	[smem:$0x7FF] =	sst s5;
	s6 =	sshll.u32 s1, $0x8;
	s1 =	ssub.s32 $0x2, s1  }
0x8: {  	_ =	strace $0x80000047;
	s3 =	sor.u32 s6, s3;
	s26 =	sshrl.u32 s1, $0x1  }
0x9: {  	s7 =	sshrl.u32 s3, $0x1;
	s9 =	sshll.u32 s3, $0x7;
	s3 =	sshrl.u32 s3, $0x3  }
0xa: {  	s1 =	ssub.s32 s1, s26;
	s4 =	sadd.s32 s4, s9;
	[dreg:$0xa] =	wrdreg s3  }
0xb: {  	s25 =	simm.s32 $0x5;
	s1 =	smax.u32 s1, $0x1;
	[dreg:$0x9] =	wrdreg s4  }
0xc: {  	s12 =	sadd.s32 $0x100, s2;
	s0 =	sadd.s32 s0, s7;
	[dreg:$0xb] =	wrdreg s1  }
0xd: {  	s28 =	sadd.s32 $0x10, s0;
	s10 =	sadd.s32 $0x30, s0;
	[dreg:$0x5] =	wrdreg s0  }
0xe: {  	s7 =	sadd.s32 $0x20, s0;
	s0 =	sadd.s32 $0x40, s0;
	[dreg:$0x8] =	wrdreg s10  }
0xf: {  	s13 =	sadd.s32 $0x200, s2;
	s14 =	sadd.s32 $0x300, s2;
	[dreg:$0xc] =	wrdreg s0  }
0x10: {  	s16 =	sadd.s32 $0x100000, s8;
	s17 =	sadd.s32 $0x200000, s8;
	[dreg:$0x6] =	wrdreg s28  }
0x11: {  	v0 =	vlaneseq.u32;
	s18 =	sadd.s32 $0x300000, s8;
	s29 =	sadd.s32 $0x40, s28;
	[dreg:$0x7] =	wrdreg s7  }
0x12: {  	v1 =	vshrl.u32 v0, $0x3;
	s15 =	smov.u32 s9;
	s30 =	sadd.s32 $0x40, s7;
	[dreg:$0xd] =	wrdreg s29  }
0x13: {  	vm0 =	vmmov $0xffff;
	v0 =	vand.u32 $0x7, v0;
	v1 =	vmul.u32 $0x8, v1;
	s1 =	simm.s32 $0x2;
	s4 =	simm.s32 $0x0;
	[dreg:$0xe] =	wrdreg s30  }
.LBB2_1:
0x14: {  	[dreg:$0xf] =	wrdreg s4  }
0x15: {  	s0 =	rddreg [dreg:$0x5]  }
0x16: {  	[tilespmem:s5], [sflag:$0xA] =	stream.linear.gather [hbm4b:s0+s5], $0x80, $0x38;
	[tilespmem:$0x1C400] =	vst v63  }
0x17: {  	s29 =	rddreg [dreg:$0xc];
	s3 =	simm.s32 $0x200;
	s30 =	simm.s32 $0xA  }
0x18: {  	[tilespmem:s3], [sflag:$0xA] =	stream.linear.gather [hbm4b:s29+s5], $0x80, $0x38;
	[tilespmem:$0x1C400] =	vst v63  }
0x19: {  	_ =	swait.ge [sflag:s30], $0x100  }
0x1a: {  	[sflag:s30] =	ssyncset.done $0x0  }
0x1b: {  	s7 =	simm.s32 $0x80;
	s6 =	rddreg [dreg:$0x6];
	[sflag:s30] =	ssyncadd.s32 $0xFFFFFF00  }
0x1c: {  	[tilespmem:s7], [sflag:$0xA] =	stream.linear.gather [hbm4b:s6+s5], $0x80, $0x38;
	[tilespmem:$0x1C400] =	vst v63  }
0x1d: {  	s9 =	simm.s32 $0x280;
	s8 =	rddreg [dreg:$0xd]  }
0x1e: {  	[tilespmem:s9], [sflag:$0xA] =	stream.linear.gather [hbm4b:s8+s5], $0x80, $0x38;
	[tilespmem:$0x1C400] =	vst v63  }
0x1f: {  	_ =	swait.ge [sflag:s30], $0x100  }
0x20: {  	[sflag:s30] =	ssyncset.done $0x0  }
0x21: {  	s11 =	simm.s32 $0x100;
	s10 =	rddreg [dreg:$0x7];
	[sflag:s30] =	ssyncadd.s32 $0xFFFFFF00  }
0x22: {  	[tilespmem:s11], [sflag:$0xA] =	stream.linear.gather [hbm4b:s10+s5], $0x80, $0x38;
	[tilespmem:$0x1C400] =	vst v63  }
0x23: {  	s20 =	simm.s32 $0x300;
	s19 =	rddreg [dreg:$0xe]  }
0x24: {  	[tilespmem:s20], [sflag:$0xA] =	stream.linear.gather [hbm4b:s19+s5], $0x80, $0x38;
	[tilespmem:$0x1C400] =	vst v63  }
0x25: {  	_ =	swait.ge [sflag:s30], $0x100  }
0x26: {  	[sflag:s30] =	ssyncset.done $0x0  }
0x27: {  	s24 =	simm.s32 $0x180;
	s22 =	rddreg [dreg:$0x8];
	[sflag:s30] =	ssyncadd.s32 $0xFFFFFF00  }
0x28: {  	[tilespmem:s24], [sflag:$0xA] =	stream.linear.gather [hbm4b:s22+s5], $0x80, $0x38;
	[tilespmem:$0x1C400] =	vst v63  }
0x29: {  	s28 =	simm.s32 $0x380;
	s26 =	sadd.s32 $0x40, s22  }
0x2a: {  	[tilespmem:s28], [sflag:$0xA] =	stream.linear.gather [hbm4b:s26+s5], $0x80, $0x38;
	[tilespmem:$0x1C400] =	vst v63  }
0x2b: {  	_ =	swait.ge [sflag:s30], $0x100  }
0x2c: {  	[sflag:s30] =	ssyncset.done $0x0  }
0x2d: {  	s29 =	rddreg [dreg:$0x9];
	[sflag:s30] =	ssyncadd.s32 $0xFFFFFF00;
	s30 =	simm.s32 $0x18400  }
0x2e: {  	[tilespmem:s30], [sflag:$0x1] =	stream.linear.gather [hbm4b:s29+s5], $0x2000, $0x38;
	[tilespmem:$0x1C400] =	vst v63  }
0x2f: {  	v2 =	vld.msk [tilespmem:$0x0], $0xff;
	_ =	sdelay $0x4  }
0x30: {  	v3 =	vshll.u32 v2, $0x3  }
0x31: {  	v2 =	vand.u32 $0x7, v2;
	v3 =	vand.u32 $0xFFFFFFC0, v3  }
0x32: {  	v2 =	vor.u32 v2, v3  }
0x33: {  	v2 =	vperm.xlane v2, v0;
	_ =	sdelay $0x1  }
0x34: {  	v2 =	vadd.s32 v1, v2;
	_ =	sdelay $0x3  }
0x35: {  	s3 =	simm.s32 $0x400  }
0x36: {  	[tilespmem:s3], [sflag:$0x2] =	stream.indirect_vreg.gather [hbm4b:s2+s5], $0x80, v2, vm0, $0xb8;
	[tilespmem:$0x1C400] =	vst v63  }
0x37: {  	s4 =	simm.s32 $0xC00  }
0x38: {  	[tilespmem:s4], [sflag:$0x2] =	stream.indirect_vreg.gather [hbm4b:s12+s5], $0x80, v2, vm0, $0xb8;
	[tilespmem:$0x1C400] =	vst v63  }
0x39: {  	s6 =	simm.s32 $0x1400  }
0x3a: {  	[tilespmem:s6], [sflag:$0x2] =	stream.indirect_vreg.gather [hbm4b:s13+s5], $0x80, v2, vm0, $0xb8;
	[tilespmem:$0x1C400] =	vst v63  }
0x3b: {  	s7 =	simm.s32 $0x1C00  }
0x3c: {  	[tilespmem:s7], [sflag:$0x2] =	stream.indirect_vreg.gather [hbm4b:s14+s5], $0x80, v2, vm0, $0xb8;
	[tilespmem:$0x1C400] =	vst v63  }
0x3d: {  	v2 =	vld.msk [tilespmem:$0x80], $0xff;
	_ =	sdelay $0x4  }
0x3e: {  	v3 =	vshll.u32 v2, $0x3  }
0x3f: {  	v2 =	vand.u32 $0x7, v2;
	v3 =	vand.u32 $0xFFFFFFC0, v3  }
0x40: {  	v2 =	vor.u32 v2, v3  }
0x41: {  	v2 =	vperm.xlane v2, v0;
	_ =	sdelay $0x1  }
0x42: {  	v2 =	vadd.s32 v1, v2;
	_ =	sdelay $0x3  }
0x43: {  	s8 =	simm.s32 $0x2400  }
0x44: {  	[tilespmem:s8], [sflag:$0x3] =	stream.indirect_vreg.gather [hbm4b:s2+s5], $0x80, v2, vm0, $0xb8;
	[tilespmem:$0x1C400] =	vst v63  }
0x45: {  	s9 =	simm.s32 $0x2C00  }
0x46: {  	[tilespmem:s9], [sflag:$0x3] =	stream.indirect_vreg.gather [hbm4b:s12+s5], $0x80, v2, vm0, $0xb8;
	[tilespmem:$0x1C400] =	vst v63  }
0x47: {  	s10 =	simm.s32 $0x3400  }
0x48: {  	[tilespmem:s10], [sflag:$0x3] =	stream.indirect_vreg.gather [hbm4b:s13+s5], $0x80, v2, vm0, $0xb8;
	[tilespmem:$0x1C400] =	vst v63  }
0x49: {  	s11 =	simm.s32 $0x3C00  }
0x4a: {  	[tilespmem:s11], [sflag:$0x3] =	stream.indirect_vreg.gather [hbm4b:s14+s5], $0x80, v2, vm0, $0xb8;
	[tilespmem:$0x1C400] =	vst v63  }
0x4b: {  	v2 =	vld.msk [tilespmem:$0x100], $0xff;
	_ =	sdelay $0x4  }
0x4c: {  	v3 =	vshll.u32 v2, $0x3  }
0x4d: {  	v2 =	vand.u32 $0x7, v2;
	v3 =	vand.u32 $0xFFFFFFC0, v3  }
0x4e: {  	v2 =	vor.u32 v2, v3  }
0x4f: {  	v2 =	vperm.xlane v2, v0;
	_ =	sdelay $0x1  }
0x50: {  	v2 =	vadd.s32 v1, v2;
	_ =	sdelay $0x3  }
0x51: {  	s19 =	simm.s32 $0x4400  }
0x52: {  	[tilespmem:s19], [sflag:$0x4] =	stream.indirect_vreg.gather [hbm4b:s2+s5], $0x80, v2, vm0, $0xb8;
	[tilespmem:$0x1C400] =	vst v63  }
0x53: {  	s20 =	simm.s32 $0x4C00  }
0x54: {  	[tilespmem:s20], [sflag:$0x4] =	stream.indirect_vreg.gather [hbm4b:s12+s5], $0x80, v2, vm0, $0xb8;
	[tilespmem:$0x1C400] =	vst v63  }
0x55: {  	s22 =	simm.s32 $0x5400  }
0x56: {  	[tilespmem:s22], [sflag:$0x4] =	stream.indirect_vreg.gather [hbm4b:s13+s5], $0x80, v2, vm0, $0xb8;
	[tilespmem:$0x1C400] =	vst v63  }
0x57: {  	s24 =	simm.s32 $0x5C00  }
0x58: {  	[tilespmem:s24], [sflag:$0x4] =	stream.indirect_vreg.gather [hbm4b:s14+s5], $0x80, v2, vm0, $0xb8;
	[tilespmem:$0x1C400] =	vst v63  }
0x59: {  	v2 =	vld.msk [tilespmem:$0x180], $0xff;
	_ =	sdelay $0x4  }
0x5a: {  	v3 =	vshll.u32 v2, $0x3  }
0x5b: {  	v2 =	vand.u32 $0x7, v2;
	v3 =	vand.u32 $0xFFFFFFC0, v3  }
0x5c: {  	v2 =	vor.u32 v2, v3  }
0x5d: {  	v2 =	vperm.xlane v2, v0;
	_ =	sdelay $0x1  }
0x5e: {  	v2 =	vadd.s32 v1, v2;
	_ =	sdelay $0x3  }
0x5f: {  	s26 =	simm.s32 $0x6400  }
0x60: {  	[tilespmem:s26], [sflag:$0x5] =	stream.indirect_vreg.gather [hbm4b:s2+s5], $0x80, v2, vm0, $0xb8;
	[tilespmem:$0x1C400] =	vst v63  }
0x61: {  	s28 =	simm.s32 $0x6C00  }
0x62: {  	[tilespmem:s28], [sflag:$0x5] =	stream.indirect_vreg.gather [hbm4b:s12+s5], $0x80, v2, vm0, $0xb8;
	[tilespmem:$0x1C400] =	vst v63  }
0x63: {  	s29 =	simm.s32 $0x7400  }
0x64: {  	[tilespmem:s29], [sflag:$0x5] =	stream.indirect_vreg.gather [hbm4b:s13+s5], $0x80, v2, vm0, $0xb8;
	[tilespmem:$0x1C400] =	vst v63  }
0x65: {  	s30 =	simm.s32 $0x7C00;
	s19 =	simm.s32 $0x0  }
0x66: {  	[tilespmem:s30], [sflag:$0x5] =	stream.indirect_vreg.gather [hbm4b:s14+s5], $0x80, v2, vm0, $0xb8;
	[tilespmem:$0x1C400] =	vst v63  }
.LBB2_2:
0x67: {  	s20 =	sadd.s32 $0x1, s19;
	_ =	swait.ge [sflag:s31], $0x2000  }
0x68: {  	p0 =	seq.s32 s19, $0x1F;
	[sflag:s31] =	ssyncset.done $0x0;
	s0 =	rddreg [dreg:$0xa]  }
0x69: {  	s6 =	sshll.u32 @!p0 s20, $0xD;
	p1 =	slt.u32 @!p0 s19, $0x2;
	s3 =	sadd.s32 @!p0 s0, s20  }
0x6a: {  	[sflag:s31] =	ssyncadd.s32 $0xFFFFE000;
	s6 =	sand.u32 @!p0 $0x2000, s6;
	p2 =	por p0, !p1  }
0x6b: {  	s3 =	sshll.u32 @!p0 s3, $0xA;
	s7 =	sor.u32 @!p0 $0x18400, s6;
	s0 =	rddreg [dreg:$0x2]  }
0x6c: {  	s6 =	simm.s32 @!p0 $0x0;
	s3 =	sadd.s32 @!p0 s0, s3;
	s0 =	simm.s32 @p2 $0x6  }
0x6d: {  	[tilespmem:s7], [sflag:$0x1] =	stream.linear.gather @!p0 [hbm4b:s3+s6], $0x2000, $0x38;
	[tilespmem:$0x1C400] =	vst v63  }
0x6e: {  	_ =	swait.ge @p2 [sflag:s0], $0x2000  }
0x6f: {  	[sflag:s0] =	ssyncset.done @p2 $0x0  }
0x70: {  	[sflag:s0] =	ssyncadd.s32 @p2 $0xFFFFE000  }
0x71: {  	s3 =	sshll.u32 @!p0 s20, $0x3;
	s7 =	sshll.u32 @!p0 s20, $0x5;
	_ =	swait.ge [sflag:s1], $0x2000  }
0x72: {  	s3 =	sand.u32 @!p0 $0x78, s3;
	s7 =	sand.u32 @!p0 $0x600, s7;
	[sflag:s1] =	ssyncset.done $0x0  }
0x73: {  	s8 =	sor.u32 @!p0 s3, s7;
	[sflag:s1] =	ssyncadd.s32 $0xFFFFE000  }
0x74: {  	v2 =	vld.msk @!p0 [tilespmem:s8+$0x0], $0xff;
	_ =	sdelay $0x3  }
0x75: {  	s11 =	smul.u32 $0xAB, s19  }
0x76: {  	v3 =	vshll.u32 @!p0 v2, $0x3  }
0x77: {  	v4 =	vlaneseq.u32 @!p0;
	s22 =	sadd.s32 $0xAB, s11;
	v2 =	vand.u32 @!p0 $0x7, v2;
	v3 =	vand.u32 @!p0 $0xFFFFFFC0, v3  }
0x78: {  	s3 =	sshrl.u32 s22, $0x9;
	v2 =	vor.u32 @!p0 v2, v3;
	v3 =	vand.u32 @!p0 $0x7, v4;
	v4 =	vshrl.u32 @!p0 v4, $0x3  }
0x79: {  	s3 =	sand.u32 $0x7F, s3;
	v2 =	vperm.xlane @!p0 v2, v3;
	v4 =	vmul.u32 @!p0 $0x8, v4  }
0x7a: {  	s3 =	smul.u32 $0x3, s3  }
0x7b: {  	v2 =	vadd.s32 @!p0 v4, v2  }
0x7c: {  	s3 =	ssub.s32 s20, s3  }
0x7d: {  	s3 =	sand.u32 $0xFF, s3  }
0x7e: {  	s10 =	sshll.u32 @!p0 s3, $0xF  }
0x7f: {  	vm1 =	vmmov @!p0 $0xffff;
	s3 =	sor.u32 @!p0 $0x400, s10  }
0x80: {  	[tilespmem:s3], [sflag:$0x2] =	stream.indirect_vreg.gather @!p0 [hbm4b:s2+s6], $0x80, v2, vm1, $0xb8;
	[tilespmem:$0x1C400] =	vst v63  }
0x81: {  	s3 =	sor.u32 @!p0 $0xC00, s10  }
0x82: {  	[tilespmem:s3], [sflag:$0x2] =	stream.indirect_vreg.gather @!p0 [hbm4b:s12+s6], $0x80, v2, vm1, $0xb8;
	[tilespmem:$0x1C400] =	vst v63  }
0x83: {  	p1 =	por @!p0 $0x0, $0x0;
	s3 =	sor.u32 @!p0 $0x1400, s10  }
0x84: {  	[tilespmem:s3], [sflag:$0x2] =	stream.indirect_vreg.gather @!p0 [hbm4b:s13+s6], $0x80, v2, vm1, $0xb8;
	[tilespmem:$0x1C400] =	vst v63  }
0x85: {  	p1 =	por @p2 $0x1, $0x1;
	s3 =	sor.u32 @!p0 $0x1C00, s10  }
0x86: {  	[tilespmem:s3], [sflag:$0x2] =	stream.indirect_vreg.gather @!p0 [hbm4b:s14+s6], $0x80, v2, vm1, $0xb8;
	[tilespmem:$0x1C400] =	vst v63  }
0x87: {  	s3 =	simm.s32 @p1 $0x7  }
0x88: {  	_ =	swait.ge @p1 [sflag:s3], $0x2000  }
0x89: {  	[sflag:s3] =	ssyncset.done @p1 $0x0  }
0x8a: {  	[sflag:s3] =	ssyncadd.s32 @p1 $0xFFFFE000  }
0x8b: {  	_ =	swait.ge [sflag:s21], $0x2000  }
0x8c: {  	[sflag:s21] =	ssyncset.done $0x0  }
0x8d: {  	s3 =	sor.u32 @!p0 $0x80, s8;
	[sflag:s21] =	ssyncadd.s32 $0xFFFFE000  }
0x8e: {  	v2 =	vld.msk @!p0 [tilespmem:s3+$0x0], $0xff;
	_ =	sdelay $0x4  }
0x8f: {  	v5 =	vshll.u32 @!p0 v2, $0x3  }
0x90: {  	v2 =	vand.u32 @!p0 $0x7, v2;
	v5 =	vand.u32 @!p0 $0xFFFFFFC0, v5  }
0x91: {  	v2 =	vor.u32 @!p0 v2, v5  }
0x92: {  	v2 =	vperm.xlane @!p0 v2, v3;
	_ =	sdelay $0x1  }
0x93: {  	v2 =	vadd.s32 @!p0 v4, v2;
	_ =	sdelay $0x3  }
0x94: {  	s3 =	sor.u32 @!p0 $0x2400, s10  }
0x95: {  	[tilespmem:s3], [sflag:$0x3] =	stream.indirect_vreg.gather @!p0 [hbm4b:s2+s6], $0x80, v2, vm1, $0xb8;
	[tilespmem:$0x1C400] =	vst v63  }
0x96: {  	s3 =	sor.u32 @!p0 $0x2C00, s10  }
0x97: {  	[tilespmem:s3], [sflag:$0x3] =	stream.indirect_vreg.gather @!p0 [hbm4b:s12+s6], $0x80, v2, vm1, $0xb8;
	[tilespmem:$0x1C400] =	vst v63  }
0x98: {  	s3 =	sor.u32 @!p0 $0x3400, s10  }
0x99: {  	[tilespmem:s3], [sflag:$0x3] =	stream.indirect_vreg.gather @!p0 [hbm4b:s13+s6], $0x80, v2, vm1, $0xb8;
	[tilespmem:$0x1C400] =	vst v63  }
0x9a: {  	s3 =	sor.u32 @!p0 $0x3C00, s10  }
0x9b: {  	[tilespmem:s3], [sflag:$0x3] =	stream.indirect_vreg.gather @!p0 [hbm4b:s14+s6], $0x80, v2, vm1, $0xb8;
	[tilespmem:$0x1C400] =	vst v63  }
0x9c: {  	s3 =	simm.s32 @p1 $0x8  }
0x9d: {  	_ =	swait.ge @p1 [sflag:s3], $0x2000  }
0x9e: {  	[sflag:s3] =	ssyncset.done @p1 $0x0  }
0x9f: {  	[sflag:s3] =	ssyncadd.s32 @p1 $0xFFFFE000  }
0xa0: {  	_ =	swait.ge [sflag:s23], $0x2000  }
0xa1: {  	[sflag:s23] =	ssyncset.done $0x0  }
0xa2: {  	s3 =	sor.u32 @!p0 $0x100, s8;
	[sflag:s23] =	ssyncadd.s32 $0xFFFFE000  }
0xa3: {  	v2 =	vld.msk @!p0 [tilespmem:s3+$0x0], $0xff;
	_ =	sdelay $0x4  }
0xa4: {  	v5 =	vshll.u32 @!p0 v2, $0x3  }
0xa5: {  	v2 =	vand.u32 @!p0 $0x7, v2;
	v5 =	vand.u32 @!p0 $0xFFFFFFC0, v5  }
0xa6: {  	v2 =	vor.u32 @!p0 v2, v5  }
0xa7: {  	v2 =	vperm.xlane @!p0 v2, v3;
	_ =	sdelay $0x1  }
0xa8: {  	v2 =	vadd.s32 @!p0 v4, v2;
	_ =	sdelay $0x3  }
0xa9: {  	s3 =	sor.u32 @!p0 $0x4400, s10  }
0xaa: {  	[tilespmem:s3], [sflag:$0x4] =	stream.indirect_vreg.gather @!p0 [hbm4b:s2+s6], $0x80, v2, vm1, $0xb8;
	[tilespmem:$0x1C400] =	vst v63  }
0xab: {  	s3 =	sor.u32 @!p0 $0x4C00, s10  }
0xac: {  	[tilespmem:s3], [sflag:$0x4] =	stream.indirect_vreg.gather @!p0 [hbm4b:s12+s6], $0x80, v2, vm1, $0xb8;
	[tilespmem:$0x1C400] =	vst v63  }
0xad: {  	s3 =	sor.u32 @!p0 $0x5400, s10  }
0xae: {  	[tilespmem:s3], [sflag:$0x4] =	stream.indirect_vreg.gather @!p0 [hbm4b:s13+s6], $0x80, v2, vm1, $0xb8;
	[tilespmem:$0x1C400] =	vst v63  }
0xaf: {  	s3 =	sor.u32 @!p0 $0x5C00, s10  }
0xb0: {  	[tilespmem:s3], [sflag:$0x4] =	stream.indirect_vreg.gather @!p0 [hbm4b:s14+s6], $0x80, v2, vm1, $0xb8;
	[tilespmem:$0x1C400] =	vst v63  }
0xb1: {  	s3 =	simm.s32 @p1 $0x9  }
0xb2: {  	_ =	swait.ge @p1 [sflag:s3], $0x2000  }
0xb3: {  	[sflag:s3] =	ssyncset.done @p1 $0x0  }
0xb4: {  	[sflag:s3] =	ssyncadd.s32 @p1 $0xFFFFE000  }
0xb5: {  	_ =	swait.ge [sflag:s25], $0x2000  }
0xb6: {  	[sflag:s25] =	ssyncset.done $0x0  }
0xb7: {  	s3 =	sor.u32 @!p0 $0x180, s8;
	[sflag:s25] =	ssyncadd.s32 $0xFFFFE000  }
0xb8: {  	v2 =	vld.msk @!p0 [tilespmem:s3+$0x0], $0xff;
	_ =	sdelay $0x4  }
0xb9: {  	v5 =	vshll.u32 @!p0 v2, $0x3  }
0xba: {  	v2 =	vand.u32 @!p0 $0x7, v2;
	v5 =	vand.u32 @!p0 $0xFFFFFFC0, v5  }
0xbb: {  	v2 =	vor.u32 @!p0 v2, v5  }
0xbc: {  	v2 =	vperm.xlane @!p0 v2, v3;
	_ =	sdelay $0x1  }
0xbd: {  	v2 =	vadd.s32 @!p0 v4, v2;
	_ =	sdelay $0x3  }
0xbe: {  	s3 =	sor.u32 @!p0 $0x6400, s10  }
0xbf: {  	[tilespmem:s3], [sflag:$0x5] =	stream.indirect_vreg.gather @!p0 [hbm4b:s2+s6], $0x80, v2, vm1, $0xb8;
	[tilespmem:$0x1C400] =	vst v63  }
0xc0: {  	s3 =	sor.u32 @!p0 $0x6C00, s10  }
0xc1: {  	[tilespmem:s3], [sflag:$0x5] =	stream.indirect_vreg.gather @!p0 [hbm4b:s12+s6], $0x80, v2, vm1, $0xb8;
	[tilespmem:$0x1C400] =	vst v63  }
0xc2: {  	s3 =	sor.u32 @!p0 $0x7400, s10  }
0xc3: {  	[tilespmem:s3], [sflag:$0x5] =	stream.indirect_vreg.gather @!p0 [hbm4b:s13+s6], $0x80, v2, vm1, $0xb8;
	[tilespmem:$0x1C400] =	vst v63  }
0xc4: {  	s26 =	sshll.u32 s19, $0xD;
	s3 =	sor.u32 @!p0 $0x7C00, s10  }
0xc5: {  	[tilespmem:s3], [sflag:$0x5] =	stream.indirect_vreg.gather @!p0 [hbm4b:s14+s6], $0x80, v2, vm1, $0xb8;
	[tilespmem:$0x1C400] =	vst v63  }
0xc6: {  	s7 =	simm.s32 $0x0;
	s6 =	sand.u32 $0x2000, s26  }
0xc7: {  	s24 =	sshrl.u32 s11, $0x9;
	s11 =	sand.u32 $0x1C00, s7;
	s8 =	sor.u32 $0x18400, s6  }
0xc8: {  	s22 =	sand.u32 $0x380, s7;
	s3 =	sand.u32 $0x7F, s24;
	s6 =	sadd.s32 s11, s8  }
0xc9: {  	s3 =	smul.u32 $0x3, s3;
	s4 =	sadd.s32 s22, s6  }
0xca: {  	v2 =	vld [tilespmem:s4+$0x70]  }
0xcb: {  	s3 =	ssub.s32 s19, s3;
	v3 =	vld [tilespmem:s4+$0x0]  }
0xcc: {  	s3 =	sand.u32 $0xFF, s3;
	v62 =	vld [tilespmem:s4+$0x10]  }
0xcd: {  	v63 =	vld [tilespmem:s4+$0x20];
	s3 =	sshll.u32 s3, $0xF  }
0xce: {  	v6 =	vld [tilespmem:s4+$0x30];
	s24 =	sor.u32 $0x400, s3  }
0xcf: {  	v7 =	vld [tilespmem:s4+$0x40];
	s0 =	sadd.s32 s11, s24  }
0xd0: {  	v8 =	vld [tilespmem:s4+$0x50];
	s0 =	sadd.s32 s22, s0  }
0xd1: {  	[tilespmem:s0+$0x70] =	vst.add.f32.msk $0xffff, v2  }
0xd2: {  	[tilespmem:s0+$0x0] =	vst.add.f32.msk $0xffff, v3  }
0xd3: {  	[tilespmem:s0+$0x10] =	vst.add.f32.msk $0xffff, v62  }
0xd4: {  	[tilespmem:s0+$0x20] =	vst.add.f32.msk $0xffff, v63  }
0xd5: {  	s28 =	sadd.s32 $0x2400, s3;
	[tilespmem:s0+$0x30] =	vst.add.f32.msk $0xffff, v6  }
0xd6: {  	s26 =	sadd.s32 s11, s28;
	[tilespmem:s0+$0x40] =	vst.add.f32.msk $0xffff, v7  }
0xd7: {  	s26 =	sadd.s32 s22, s26;
	[tilespmem:s0+$0x50] =	vst.add.f32.msk $0xffff, v8  }
0xd8: {  	[tilespmem:s26+$0x70] =	vst.add.f32.msk $0xffff, v2  }
0xd9: {  	[tilespmem:s26+$0x0] =	vst.add.f32.msk $0xffff, v3  }
0xda: {  	[tilespmem:s26+$0x10] =	vst.add.f32.msk $0xffff, v62  }
0xdb: {  	[tilespmem:s26+$0x20] =	vst.add.f32.msk $0xffff, v63  }
0xdc: {  	s6 =	sadd.s32 $0x4400, s3;
	[tilespmem:s26+$0x30] =	vst.add.f32.msk $0xffff, v6  }
0xdd: {  	s9 =	sadd.s32 s11, s6;
	[tilespmem:s26+$0x40] =	vst.add.f32.msk $0xffff, v7  }
0xde: {  	s29 =	sadd.s32 s22, s9;
	[tilespmem:s26+$0x50] =	vst.add.f32.msk $0xffff, v8  }
0xdf: {  	[tilespmem:s29+$0x70] =	vst.add.f32.msk $0xffff, v2  }
0xe0: {  	[tilespmem:s29+$0x0] =	vst.add.f32.msk $0xffff, v3  }
0xe1: {  	[tilespmem:s29+$0x10] =	vst.add.f32.msk $0xffff, v62  }
0xe2: {  	[tilespmem:s29+$0x20] =	vst.add.f32.msk $0xffff, v63  }
0xe3: {  	s10 =	sadd.s32 $0x6400, s3;
	[tilespmem:s29+$0x30] =	vst.add.f32.msk $0xffff, v6  }
0xe4: {  	s11 =	sadd.s32 s11, s10;
	[tilespmem:s29+$0x40] =	vst.add.f32.msk $0xffff, v7  }
0xe5: {  	s30 =	sadd.s32 s22, s11;
	[tilespmem:s29+$0x50] =	vst.add.f32.msk $0xffff, v8  }
0xe6: {  	[tilespmem:s30+$0x70] =	vst.add.f32.msk $0xffff, v2  }
0xe7: {  	v2 =	vld [tilespmem:s4+$0x60]  }
0xe8: {  	[tilespmem:s30+$0x0] =	vst.add.f32.msk $0xffff, v3  }
0xe9: {  	[tilespmem:s30+$0x10] =	vst.add.f32.msk $0xffff, v62  }
0xea: {  	[tilespmem:s30+$0x20] =	vst.add.f32.msk $0xffff, v63  }
0xeb: {  	[tilespmem:s30+$0x30] =	vst.add.f32.msk $0xffff, v6  }
0xec: {  	[tilespmem:s30+$0x40] =	vst.add.f32.msk $0xffff, v7  }
0xed: {  	[tilespmem:s30+$0x50] =	vst.add.f32.msk $0xffff, v8  }
0xee: {  	s22 =	simm.s32 $0x0;
	s11 =	simm.s32 $0x400;
	[tilespmem:s0+$0x60] =	vst.add.f32.msk $0xffff, v2  }
.LBB2_3:
0xef: {  	s0 =	sand.u32 $0x1C00, s11;
	[tilespmem:s26+$0x60] =	vst.add.f32.msk $0xffff, v2;
	s7 =	sadd.s32 $0x10, s7  }
0xf0: {  	s4 =	sand.u32 $0x380, s7;
	s3 =	sadd.s32 s0, s8;
	[tilespmem:s29+$0x60] =	vst.add.f32.msk $0xffff, v2  }
0xf1: {  	s9 =	sadd.s32 s4, s3;
	[tilespmem:s30+$0x60] =	vst.add.f32.msk $0xffff, v2  }
0xf2: {  	s22 =	sadd.s32 $0x8, s22;
	v2 =	vld [tilespmem:s9+$0x70]  }
0xf3: {  	p0 =	slt.u32 s22, $0x1F8;
	v3 =	vld [tilespmem:s9+$0x0]  }
0xf4: {  	v4 =	vld [tilespmem:s9+$0x10]  }
0xf5: {  	s3 =	sadd.s32 s0, s24;
	v5 =	vld [tilespmem:s9+$0x20]  }
0xf6: {  	s26 =	sadd.s32 s0, s28;
	s3 =	sadd.s32 s4, s3;
	v6 =	vld [tilespmem:s9+$0x30]  }
0xf7: {  	s29 =	sadd.s32 s0, s6;
	s26 =	sadd.s32 s4, s26;
	[tilespmem:s3+$0x70] =	vst.add.f32.msk $0xffff, v2  }
0xf8: {  	s29 =	sadd.s32 s4, s29;
	s0 =	sadd.s32 s0, s10;
	[tilespmem:s26+$0x70] =	vst.add.f32.msk $0xffff, v2  }
0xf9: {  	s30 =	sadd.s32 s4, s0;
	[tilespmem:s29+$0x70] =	vst.add.f32.msk $0xffff, v2  }
0xfa: {  	[tilespmem:s30+$0x70] =	vst.add.f32.msk $0xffff, v2  }
0xfb: {  	v7 =	vld [tilespmem:s9+$0x40]  }
0xfc: {  	v8 =	vld [tilespmem:s9+$0x50]  }
0xfd: {  	v2 =	vld [tilespmem:s9+$0x60]  }
0xfe: {  	[tilespmem:s3+$0x0] =	vst.add.f32.msk $0xffff, v3  }
0xff: {  	[tilespmem:s26+$0x0] =	vst.add.f32.msk $0xffff, v3  }
0x100: {  	[tilespmem:s29+$0x0] =	vst.add.f32.msk $0xffff, v3  }
0x101: {  	[tilespmem:s30+$0x0] =	vst.add.f32.msk $0xffff, v3  }
0x102: {  	[tilespmem:s3+$0x10] =	vst.add.f32.msk $0xffff, v4  }
0x103: {  	[tilespmem:s26+$0x10] =	vst.add.f32.msk $0xffff, v4  }
0x104: {  	[tilespmem:s29+$0x10] =	vst.add.f32.msk $0xffff, v4  }
0x105: {  	[tilespmem:s30+$0x10] =	vst.add.f32.msk $0xffff, v4  }
0x106: {  	[tilespmem:s3+$0x20] =	vst.add.f32.msk $0xffff, v5  }
0x107: {  	[tilespmem:s26+$0x20] =	vst.add.f32.msk $0xffff, v5  }
0x108: {  	[tilespmem:s29+$0x20] =	vst.add.f32.msk $0xffff, v5  }
0x109: {  	[tilespmem:s30+$0x20] =	vst.add.f32.msk $0xffff, v5  }
0x10a: {  	[tilespmem:s3+$0x30] =	vst.add.f32.msk $0xffff, v6  }
0x10b: {  	[tilespmem:s26+$0x30] =	vst.add.f32.msk $0xffff, v6  }
0x10c: {  	[tilespmem:s29+$0x30] =	vst.add.f32.msk $0xffff, v6  }
0x10d: {  	[tilespmem:s30+$0x30] =	vst.add.f32.msk $0xffff, v6  }
0x10e: {  	[tilespmem:s3+$0x40] =	vst.add.f32.msk $0xffff, v7  }
0x10f: {  	[tilespmem:s26+$0x40] =	vst.add.f32.msk $0xffff, v7  }
0x110: {  	[tilespmem:s29+$0x40] =	vst.add.f32.msk $0xffff, v7  }
0x111: {  	[tilespmem:s30+$0x40] =	vst.add.f32.msk $0xffff, v7  }
.Ltmp0:
0x112: {  	[tilespmem:s3+$0x50] =	vst.add.f32.msk $0xffff, v8;
	(pc) =	sbr.rel @p0 .LBB2_3-.Ltmp0, $4  }
0x113: {  	[tilespmem:s26+$0x50] =	vst.add.f32.msk $0xffff, v8  }
0x114: {  	[tilespmem:s29+$0x50] =	vst.add.f32.msk $0xffff, v8  }
0x115: {  	[tilespmem:s30+$0x50] =	vst.add.f32.msk $0xffff, v8  }
0x116: {  	s11 =	sadd.s32 $0x400, s11;
	[tilespmem:s3+$0x60] =	vst.add.f32.msk $0xffff, v2  }
0x117: {  	[tilespmem:s26+$0x60] =	vst.add.f32.msk $0xffff, v2;
	s0 =	sshll.u32 s19, $0xA  }
0x118: {  	s3 =	rddreg [dreg:$0x3];
	[tilespmem:s29+$0x60] =	vst.add.f32.msk $0xffff, v2;
	s0 =	sadd.s32 s15, s0  }
0x119: {  	[tilespmem:s30+$0x60] =	vst.add.f32.msk $0xffff, v2;
	s3 =	sadd.s32 s3, s0  }
0x11a: {  	[hbm4b:s3+s5] =	stream.linear.scatter [tilespmem:s24], [sflag:$0x6], $0x2000, $0x38;
	[tilespmem:$0x1C400] =	vst v63  }
0x11b: {  	p0 =	sne.s32 s20, $0x20;
	s29 =	sadd.s32 s0, s16  }
0x11c: {  	[hbm4b:s29+s5] =	stream.linear.scatter [tilespmem:s28], [sflag:$0x7], $0x2000, $0x38;
	[tilespmem:$0x1C400] =	vst v63  }
.Ltmp1:
0x11d: {  	_ = 	snop;
	(pc) =	sbr.rel @p0 .LBB2_2-.Ltmp1, $4  }
0x11e: {  	s30 =	sadd.s32 s0, s17  }
0x11f: {  	[hbm4b:s30+s5] =	stream.linear.scatter [tilespmem:s6], [sflag:$0x8], $0x2000, $0x38;
	[tilespmem:$0x1C400] =	vst v63  }
0x120: {  	s19 =	smov.u32 s20;
	s0 =	sadd.s32 s0, s18  }
0x121: {  	[hbm4b:s0+s5] =	stream.linear.scatter [tilespmem:s10], [sflag:$0x9], $0x2000, $0x38;
	[tilespmem:$0x1C400] =	vst v63  }
0x122: {  	s0 =	simm.s32 $0x6  }
0x123: {  	_ =	swait.ge [sflag:s0], $0x2000  }
0x124: {  	[sflag:s0] =	ssyncset.done $0x0  }
0x125: {  	[sflag:s0] =	ssyncadd.s32 $0xFFFFE000  }
0x126: {  	_ =	swait.ge [sflag:s0], $0x2000  }
0x127: {  	[sflag:s0] =	ssyncset.done $0x0  }
0x128: {  	s28 =	simm.s32 $0x7;
	[sflag:s0] =	ssyncadd.s32 $0xFFFFE000  }
0x129: {  	_ =	swait.ge [sflag:s28], $0x2000  }
0x12a: {  	[sflag:s28] =	ssyncset.done $0x0  }
0x12b: {  	[sflag:s28] =	ssyncadd.s32 $0xFFFFE000  }
0x12c: {  	_ =	swait.ge [sflag:s28], $0x2000  }
0x12d: {  	[sflag:s28] =	ssyncset.done $0x0  }
0x12e: {  	s29 =	simm.s32 $0x8;
	[sflag:s28] =	ssyncadd.s32 $0xFFFFE000  }
0x12f: {  	_ =	swait.ge [sflag:s29], $0x2000  }
0x130: {  	[sflag:s29] =	ssyncset.done $0x0  }
0x131: {  	[sflag:s29] =	ssyncadd.s32 $0xFFFFE000  }
0x132: {  	_ =	swait.ge [sflag:s29], $0x2000  }
0x133: {  	[sflag:s29] =	ssyncset.done $0x0  }
0x134: {  	s3 =	simm.s32 $0x9;
	[sflag:s29] =	ssyncadd.s32 $0xFFFFE000  }
0x135: {  	_ =	swait.ge [sflag:s3], $0x2000  }
0x136: {  	[sflag:s3] =	ssyncset.done $0x0  }
0x137: {  	[sflag:s3] =	ssyncadd.s32 $0xFFFFE000  }
0x138: {  	_ =	swait.ge [sflag:s3], $0x2000  }
0x139: {  	s4 =	rddreg [dreg:$0xf]  }
0x13a: {  	s30 =	rddreg [dreg:$0xb];
	s4 =	sadd.s32 $0x1, s4  }
0x13b: {  	p0 =	sne.s32 s4, s30  }
.Ltmp2:
0x13c: {  	_ = 	snop;
	(pc) =	sbr.rel @p0 .LBB2_1-.Ltmp2, $3  }
0x13d: {  	_ =	sdelay $0x1  }
0x13e: {  	[sflag:s3] =	ssyncset.done $0x0  }
0x13f: {  	[sflag:s3] =	ssyncadd.s32 $0xFFFFE000  }
0x140: {  	_ =	sfence.sel $0x180000  }
0x141: {  	[bflag:$0x0] =	sbarrier.arrive $0xFFFF  }
0x142: {  	_ =	strace $0x90000047  }
0x143: {  	s0 =	stileid.u32;
	[bflag:$0x2] =	sbarrier.arrive $0xFFFF  }
0x144: {  	p0 =	sne.s32 s0, $0x0;
	s0 =	rddreg [dreg:$0x4]  }
0x145: {  	s0 =	sadd.s32 @!p0 $0x100000, s0  }
0x146: {  	[sflag:s0] =	ssyncadd.tile.s32 @!p0 $0x1;
	_ =	shalt  }
.Lfunc_end2:
_tile_overlayer_lowered:
.L_overlay_start_2:
0x147: {  	(tag) =	ssettag $0x2  }
0x148: {  	s0 =	rddreg [dreg:$0x0];
	s2 =	stileid.u32  }
0x149: {  	s1 =	rddreg [dreg:$0x1];
	p0 =	sne.s32 s2, $0x0  }
0x14a: {  	s3 =	rddreg [dreg:$0x2];
	[bflag:$0x3] =	sbarrier.arrive $0xFFFF;
	s2 =	simm.s32 @!p0 $0x1C0A  }
0x14b: {  	[timem:s3], [sflag:s2] =	dma.local @!p0 [hbm:s0], s1  }
0x14c: {  	s0 =	simm.s32 @!p0 $0xA  }
0x14d: {  	_ =	swait.ge @!p0 [sflag:s0], s1  }
0x14e: {  	s1 =	ssub.s32 @!p0 $0x0, s1;
	[sflag:s0] =	ssyncset.done @!p0 $0x0  }
0x14f: {  	[sflag:s0] =	ssyncadd.s32 @!p0 s1  }
0x150: {  	[bflag:$0x3] =	sbarrier.arrive $0xFFFF  }
0x151: {  	_ =	shalt  }

</sc_bundles>
